<compile_context>
chip_gen: v7x
topology: tpu7x:2x2x1
jax: 0.10.2.dev20260603
libtpu: 0.0.44.dev20260713+nightly
codegen_flags: <defaults>
</compile_context>

<pallas_src>
import functools

import jax
import jax.numpy as jnp
from jax import lax
from jax.experimental import pallas as pl
from jax.experimental.pallas import tpu as pltpu
from jax.experimental.pallas import tpu_sc as plsc

HIDDEN = 128
N_NODES = 10000
N_EDGES = 320000

NC = 2
NS = 16
NW = NC * NS
EW = N_EDGES // NW
CH = 80
NCH = EW // CH
LANES = 16
GW = HIDDEN
XW = HIDDEN


def _gates_tc_kernel(h_ref, w_ref, b_ref, u_ref):
    u_ref[...] = lax.dot_general(
        h_ref[...], w_ref[...], (((1,), (1,)), ((), ())),
        preferred_element_type=jnp.float32) + b_ref[...]


def _build_gates(h, W_r, b2):
    rows = 1000
    return pl.pallas_call(
        _gates_tc_kernel,
        grid=(N_NODES // rows,),
        in_specs=[
            pl.BlockSpec((rows, HIDDEN), lambda i: (i, 0)),
            pl.BlockSpec((HIDDEN, HIDDEN), lambda i: (0, 0)),
            pl.BlockSpec((1, HIDDEN), lambda i: (0, 0)),
        ],
        out_specs=pl.BlockSpec((rows, HIDDEN), lambda i: (i, 0)),
        out_shape=jax.ShapeDtypeStruct((N_NODES, HIDDEN), jnp.float32),
    )(h, W_r, b2)


def _pack_ileaved(a):
    n, c = a.shape
    ab = a.astype(jnp.bfloat16).reshape(n, c // 32, 2, LANES).transpose(0, 1, 3, 2)
    return lax.bitcast_convert_type(ab, jnp.int32).reshape(n, c // 2)


def _edge_sc_kernel(g_hbm, xr_hbm, src_hbm, dst_hbm, out_hbm,
                    src_v, dst_v, g_v, x_v, o_v, sg, sx, so):
    wid = lax.axis_index("s") * NC + lax.axis_index("c")
    base = wid * EW
    sidx, didx = src_v[0], dst_v[0]
    pltpu.sync_copy(src_hbm.at[pl.ds(base, EW)], sidx)
    pltpu.sync_copy(dst_hbm.at[pl.ds(base, EW)], didx)

    def gather_start(b, off):
        pltpu.make_async_copy(
            g_hbm.at[sidx.at[pl.ds(off, CH)]], g_v[b], sg[b]).start()
        pltpu.make_async_copy(
            xr_hbm.at[didx.at[pl.ds(off, CH)]], x_v[b], sx[b]).start()

    def gather_wait(b, off):
        pltpu.make_async_copy(
            g_hbm.at[sidx.at[pl.ds(off, CH)]], g_v[b], sg[b]).wait()
        pltpu.make_async_copy(
            xr_hbm.at[didx.at[pl.ds(off, CH)]], x_v[b], sx[b]).wait()

    def store_start(b, off):
        pltpu.make_async_copy(
            o_v[b], out_hbm.at[pl.ds(base + off, CH)], so[b]).start()

    def store_wait(b):
        pltpu.make_async_copy(
            o_v[b], out_hbm.at[pl.ds(base, CH)], so[b]).wait()

    def _unpk(w):
        lo = lax.bitcast_convert_type(w << 16, jnp.float32)
        hi = lax.bitcast_convert_type(w & jnp.int32(-65536), jnp.float32)
        return lo, hi

    def compute(b):
        gb, xb, ob = g_v[b], x_v[b], o_v[b]

        @plsc.parallel_loop(0, CH, unroll=1)
        def row_body(r):
            for j in range(HIDDEN // 32):
                h0, h1 = _unpk(gb[r, pl.ds(j * LANES, LANES)])
                u0, u1 = _unpk(gb[r, pl.ds(GW // 2 + j * LANES, LANES)])
                x0 = xb[r, pl.ds(j * 2 * LANES, LANES)]
                x1 = xb[r, pl.ds(j * 2 * LANES + LANES, LANES)]
                ob[r, pl.ds(j * 2 * LANES, LANES)] = (
                    h0 / (1.0 + jnp.exp(-(x0 + u0))))
                ob[r, pl.ds(j * 2 * LANES + LANES, LANES)] = (
                    h1 / (1.0 + jnp.exp(-(x1 + u1))))

    gather_start(0, 0)

    def pair_body(k, carry):
        i0 = 2 * k * CH
        gather_wait(0, i0)
        gather_start(1, i0 + CH)

        @pl.when(k > 0)
        def _():
            store_wait(0)
        compute(0)
        store_start(0, i0)

        gather_wait(1, i0 + CH)
        gather_start(0, i0 + 2 * CH)

        @pl.when(k > 0)
        def _():
            store_wait(1)
        compute(1)
        store_start(1, i0 + CH)
        return carry

    lax.fori_loop(0, (NCH - 1) // 2, pair_body, 0)

    last = (NCH - 1) * CH
    gather_wait(0, last)
    store_wait(0)
    compute(0)
    store_start(0, last)
    store_wait(1)
    store_wait(0)


@functools.partial(
    pl.kernel,
    out_type=jax.ShapeDtypeStruct((N_EDGES, HIDDEN), jnp.float32),
    mesh=plsc.VectorSubcoreMesh(core_axis_name="c", subcore_axis_name="s",
                                num_cores=NC, num_subcores=NS),
    scratch_types=[
        [pltpu.VMEM((EW,), jnp.int32)],
        [pltpu.VMEM((EW,), jnp.int32)],
        [pltpu.VMEM((CH, GW), jnp.int32) for _ in range(2)],
        [pltpu.VMEM((CH, XW), jnp.float32) for _ in range(2)],
        [pltpu.VMEM((CH, HIDDEN), jnp.float32) for _ in range(2)],
        [pltpu.SemaphoreType.DMA for _ in range(2)],
        [pltpu.SemaphoreType.DMA for _ in range(2)],
        [pltpu.SemaphoreType.DMA for _ in range(2)],
    ],
)
def _edge_messages(g_hbm, xr_hbm, src_hbm, dst_hbm, out_hbm,
                   src_v, dst_v, g_v, x_v, o_v, sg, sx, so):
    _edge_sc_kernel(g_hbm, xr_hbm, src_hbm, dst_hbm, out_hbm,
                    src_v, dst_v, g_v, x_v, o_v, sg, sx, so)


def kernel(h, src_x_r, edge_index, W_r, b_r):
    src = edge_index[0].astype(jnp.int32)
    dst = edge_index[1].astype(jnp.int32)
    u = _build_gates(h, W_r, b_r.reshape(1, HIDDEN))
    g_words = _pack_ileaved(jnp.concatenate([h, u], axis=1))
    return _edge_messages(g_words, src_x_r, src, dst)

# --- scband reference (transcript-rebuilt; emitter-appended) ---
"""Pipeline reference for scband-grumessage-27934467293752 (READ-ONLY COPY).

The authoritative reference and input builder live on the scoring server;
editing this copy changes nothing except your own understanding.
"""

import jax, jax.numpy as jnp
import numpy as np

HIDDEN = 128
N_NODES = 10000
N_EDGES = 320000

def setup_inputs(seed: int = 0) -> dict:
    key = jax.random.key(seed)
    k1, k2, k3, k4, k5 = jax.random.split(key, 5)
    h = jax.random.normal(k1, (N_NODES, HIDDEN), dtype=jnp.float32)
    src_x_r = jax.random.normal(k2, (N_NODES, HIDDEN), dtype=jnp.float32)
    edge_index = jax.random.randint(k3, (2, N_EDGES), 0, N_NODES, dtype=jnp.int64)
    # nn.Linear(hidden, hidden): weight [out, in], bias [out]
    bound = 1.0 / np.sqrt(HIDDEN)
    W_r = jax.random.uniform(k4, (HIDDEN, HIDDEN), minval=-bound, maxval=bound, dtype=jnp.float32)
    b_r = jax.random.uniform(k5, (HIDDEN,), minval=-bound, maxval=bound, dtype=jnp.float32)
    return {"h": h, "src_x_r": src_x_r, "edge_index": edge_index, "W_r": W_r, "b_r": b_r}

def reference(h, src_x_r, edge_index, W_r, b_r):
    # DGL edge UDF: edges.src gathers node features at source nodes,
    # edges.dst gathers node features at destination nodes.
    src = edge_index[0]
    dst = edge_index[1]
    h_src = jnp.take(h, src, axis=0)            # edges.src['h']
    r_1 = jnp.take(src_x_r, dst, axis=0)        # edges.dst['src_x_r']
    r_2 = h_src @ W_r.T + b_r                   # self.U_r(edges.src['h'])
    r = jax.nn.sigmoid(r_1 + r_2)
    m = r * h_src
    return m

if __name__ == "__main__":
    import jax
    _d = setup_inputs()
    print(jax.jit(kernel)(*tuple(_d.values())))

</pallas_src>

<mosaic_0001>
#map = affine_map<(d0, d1) -> (0, 0)>
#map1 = affine_map<(d0, d1) -> (0)>
module attributes {stable_mosaic.version = 14 : i64} {
  func.func @_edge_messages(%arg0: i32, %arg1: i32, %arg2: memref<10000x128xi32, #tpu.memory_space<hbm>>, %arg3: memref<10000x128xf32, #tpu.memory_space<hbm>>, %arg4: memref<320000xi32, #tpu.memory_space<hbm>>, %arg5: memref<320000xi32, #tpu.memory_space<hbm>>, %arg6: memref<320000x128xf32, #tpu.memory_space<hbm>>, %arg7: memref<10000xi32, #tpu.memory_space<vmem>>, %arg8: memref<10000xi32, #tpu.memory_space<vmem>>, %arg9: memref<80x128xi32, #tpu.memory_space<vmem>>, %arg10: memref<80x128xi32, #tpu.memory_space<vmem>>, %arg11: memref<80x128xf32, #tpu.memory_space<vmem>>, %arg12: memref<80x128xf32, #tpu.memory_space<vmem>>, %arg13: memref<80x128xf32, #tpu.memory_space<vmem>>, %arg14: memref<80x128xf32, #tpu.memory_space<vmem>>, %arg15: memref<!tpu.dma_semaphore, #tpu.memory_space<semaphore_mem>>, %arg16: memref<!tpu.dma_semaphore, #tpu.memory_space<semaphore_mem>>, %arg17: memref<!tpu.dma_semaphore, #tpu.memory_space<semaphore_mem>>, %arg18: memref<!tpu.dma_semaphore, #tpu.memory_space<semaphore_mem>>, %arg19: memref<!tpu.dma_semaphore, #tpu.memory_space<semaphore_mem>>, %arg20: memref<!tpu.dma_semaphore, #tpu.memory_space<semaphore_mem>>) attributes {dimension_semantics = [#tpu.dimension_semantics<core_parallel>, #tpu.dimension_semantics<subcore_parallel>], iteration_bounds = array<i64: 2, 16>, scalar_prefetch = 0 : i64, scratch_operands = 14 : i64, tpu.core_type = #tpu.core_type<sc_vector_subcore>, window_params = [{transform_indices = #map}, {transform_indices = #map}, {transform_indices = #map1}, {transform_indices = #map1}, {transform_indices = #map}]} {
    %mul3A = arith.constant 2 : i32
    %mul3A_0 = arith.muli %arg1, %mul3A : i32
    %add3A = arith.addi %mul3A_0, %arg0 : i32
    %mul3A_1 = arith.constant 10000 : i32
    %mul3A_2 = arith.muli %add3A, %mul3A_1 : i32
    "tpu.region"() ({
      %run_scoped3A = tpu.sem_alloc : memref<!tpu.dma_semaphore, #tpu.memory_space<semaphore_mem>>
      %dma_start3A_46 = tpu.memref_slice %arg4[%mul3A_2] : memref<320000xi32, #tpu.memory_space<hbm>> -> memref<10000xi32, #tpu.memory_space<hbm>>
      %dma_start3A_47 = tpu.memref_slice %arg4[%mul3A_2] : memref<320000xi32, #tpu.memory_space<hbm>> -> memref<10000xi32, #tpu.memory_space<hbm>>
      tpu.enqueue_dma source(%dma_start3A_47 : memref<10000xi32, #tpu.memory_space<hbm>>) target(%arg7 : memref<10000xi32, #tpu.memory_space<vmem>>) target_semaphore(%run_scoped3A : memref<!tpu.dma_semaphore, #tpu.memory_space<semaphore_mem>>)
      %dma_wait3A_48 = tpu.memref_slice %arg4[%mul3A_2] : memref<320000xi32, #tpu.memory_space<hbm>> -> memref<10000xi32, #tpu.memory_space<hbm>>
      %dma_wait3A_49 = tpu.memref_slice %arg4[%mul3A_2] : memref<320000xi32, #tpu.memory_space<hbm>> -> memref<10000xi32, #tpu.memory_space<hbm>>
      tpu.wait_dma2 semaphore(%run_scoped3A : memref<!tpu.dma_semaphore, #tpu.memory_space<semaphore_mem>>) src(%dma_wait3A_49 : memref<10000xi32, #tpu.memory_space<hbm>>) dst(%arg7 : memref<10000xi32, #tpu.memory_space<vmem>>)
      tpu.yield
    }) : () -> ()
    "tpu.region"() ({
      %run_scoped3A = tpu.sem_alloc : memref<!tpu.dma_semaphore, #tpu.memory_space<semaphore_mem>>
      %dma_start3A_46 = tpu.memref_slice %arg5[%mul3A_2] : memref<320000xi32, #tpu.memory_space<hbm>> -> memref<10000xi32, #tpu.memory_space<hbm>>
      %dma_start3A_47 = tpu.memref_slice %arg5[%mul3A_2] : memref<320000xi32, #tpu.memory_space<hbm>> -> memref<10000xi32, #tpu.memory_space<hbm>>
      tpu.enqueue_dma source(%dma_start3A_47 : memref<10000xi32, #tpu.memory_space<hbm>>) target(%arg8 : memref<10000xi32, #tpu.memory_space<vmem>>) target_semaphore(%run_scoped3A : memref<!tpu.dma_semaphore, #tpu.memory_space<semaphore_mem>>)
      %dma_wait3A_48 = tpu.memref_slice %arg5[%mul3A_2] : memref<320000xi32, #tpu.memory_space<hbm>> -> memref<10000xi32, #tpu.memory_space<hbm>>
      %dma_wait3A_49 = tpu.memref_slice %arg5[%mul3A_2] : memref<320000xi32, #tpu.memory_space<hbm>> -> memref<10000xi32, #tpu.memory_space<hbm>>
      tpu.wait_dma2 semaphore(%run_scoped3A : memref<!tpu.dma_semaphore, #tpu.memory_space<semaphore_mem>>) src(%dma_wait3A_49 : memref<10000xi32, #tpu.memory_space<hbm>>) dst(%arg8 : memref<10000xi32, #tpu.memory_space<vmem>>)
      tpu.yield
    }) : () -> ()
    %dma_start3A = arith.constant 0 : i32
    %dma_start3A_3 = tpu.memref_slice %arg7[%dma_start3A] : memref<10000xi32, #tpu.memory_space<vmem>> -> memref<80xi32, #tpu.memory_space<vmem>>
    %dma_start3A_4 = arith.constant 0 : i32
    %dma_start3A_5 = arith.constant 0 : i32
    %dma_start3A_6 = tpu.memref_slice %arg2[%dma_start3A_4, %dma_start3A_5] : memref<10000x128xi32, #tpu.memory_space<hbm>> -> memref<10000x128xi32, #tpu.memory_space<hbm>>
    tpu.enqueue_indirect_dma source(%dma_start3A_6 : memref<10000x128xi32, #tpu.memory_space<hbm>>) target(%arg9 : memref<80x128xi32, #tpu.memory_space<vmem>>) offsets(%dma_start3A_3 : memref<80xi32, #tpu.memory_space<vmem>>) semaphore(%arg15 : memref<!tpu.dma_semaphore, #tpu.memory_space<semaphore_mem>>)
    %dma_start3A_7 = arith.constant 0 : i32
    %dma_start3A_8 = tpu.memref_slice %arg8[%dma_start3A_7] : memref<10000xi32, #tpu.memory_space<vmem>> -> memref<80xi32, #tpu.memory_space<vmem>>
    %dma_start3A_9 = arith.constant 0 : i32
    %dma_start3A_10 = arith.constant 0 : i32
    %dma_start3A_11 = tpu.memref_slice %arg3[%dma_start3A_9, %dma_start3A_10] : memref<10000x128xf32, #tpu.memory_space<hbm>> -> memref<10000x128xf32, #tpu.memory_space<hbm>>
    tpu.enqueue_indirect_dma source(%dma_start3A_11 : memref<10000x128xf32, #tpu.memory_space<hbm>>) target(%arg11 : memref<80x128xf32, #tpu.memory_space<vmem>>) offsets(%dma_start3A_8 : memref<80xi32, #tpu.memory_space<vmem>>) semaphore(%arg17 : memref<!tpu.dma_semaphore, #tpu.memory_space<semaphore_mem>>)
    %scan3A = arith.constant 0 : i32
    %scan3A_12 = arith.constant 0 : i32
    %scan3A_13 = arith.constant 62 : i32
    %scan3A_14 = arith.addi %scan3A_12, %scan3A_13 : i32
    %scan3A_15 = arith.constant 1 : i32
    scf.for %scan3A_46 = %scan3A_12 to %scan3A_14 step %scan3A_15  : i32 {
      %mul3A_47 = arith.constant 2 : i32
      %mul3A_48 = arith.muli %mul3A_47, %scan3A_46 : i32
      %mul3A_49 = arith.constant 80 : i32
      %mul3A_50 = arith.muli %mul3A_48, %mul3A_49 : i32
      %dma_wait3A_51 = tpu.memref_slice %arg7[%mul3A_50] : memref<10000xi32, #tpu.memory_space<vmem>> -> memref<80xi32, #tpu.memory_space<vmem>>
      %dma_wait3A_52 = arith.constant 0 : i32
      %dma_wait3A_53 = arith.constant 0 : i32
      %dma_wait3A_54 = tpu.memref_slice %arg2[%dma_wait3A_52, %dma_wait3A_53] : memref<10000x128xi32, #tpu.memory_space<hbm>> -> memref<10000x128xi32, #tpu.memory_space<hbm>>
      tpu.wait_indirect_dma semaphore(%arg15 : memref<!tpu.dma_semaphore, #tpu.memory_space<semaphore_mem>>) src(%dma_wait3A_54 : memref<10000x128xi32, #tpu.memory_space<hbm>>) dst(%arg9 : memref<80x128xi32, #tpu.memory_space<vmem>>)
      %dma_wait3A_55 = tpu.memref_slice %arg8[%mul3A_50] : memref<10000xi32, #tpu.memory_space<vmem>> -> memref<80xi32, #tpu.memory_space<vmem>>
      %dma_wait3A_56 = arith.constant 0 : i32
      %dma_wait3A_57 = arith.constant 0 : i32
      %dma_wait3A_58 = tpu.memref_slice %arg3[%dma_wait3A_56, %dma_wait3A_57] : memref<10000x128xf32, #tpu.memory_space<hbm>> -> memref<10000x128xf32, #tpu.memory_space<hbm>>
      tpu.wait_indirect_dma semaphore(%arg17 : memref<!tpu.dma_semaphore, #tpu.memory_space<semaphore_mem>>) src(%dma_wait3A_58 : memref<10000x128xf32, #tpu.memory_space<hbm>>) dst(%arg11 : memref<80x128xf32, #tpu.memory_space<vmem>>)
      %add3A_59 = arith.constant 80 : i32
      %add3A_60 = arith.addi %mul3A_50, %add3A_59 : i32
      %dma_start3A_61 = tpu.memref_slice %arg7[%add3A_60] : memref<10000xi32, #tpu.memory_space<vmem>> -> memref<80xi32, #tpu.memory_space<vmem>>
      %dma_start3A_62 = arith.constant 0 : i32
      %dma_start3A_63 = arith.constant 0 : i32
      %dma_start3A_64 = tpu.memref_slice %arg2[%dma_start3A_62, %dma_start3A_63] : memref<10000x128xi32, #tpu.memory_space<hbm>> -> memref<10000x128xi32, #tpu.memory_space<hbm>>
      tpu.enqueue_indirect_dma source(%dma_start3A_64 : memref<10000x128xi32, #tpu.memory_space<hbm>>) target(%arg10 : memref<80x128xi32, #tpu.memory_space<vmem>>) offsets(%dma_start3A_61 : memref<80xi32, #tpu.memory_space<vmem>>) semaphore(%arg16 : memref<!tpu.dma_semaphore, #tpu.memory_space<semaphore_mem>>)
      %dma_start3A_65 = tpu.memref_slice %arg8[%add3A_60] : memref<10000xi32, #tpu.memory_space<vmem>> -> memref<80xi32, #tpu.memory_space<vmem>>
      %dma_start3A_66 = arith.constant 0 : i32
      %dma_start3A_67 = arith.constant 0 : i32
      %dma_start3A_68 = tpu.memref_slice %arg3[%dma_start3A_66, %dma_start3A_67] : memref<10000x128xf32, #tpu.memory_space<hbm>> -> memref<10000x128xf32, #tpu.memory_space<hbm>>
      tpu.enqueue_indirect_dma source(%dma_start3A_68 : memref<10000x128xf32, #tpu.memory_space<hbm>>) target(%arg12 : memref<80x128xf32, #tpu.memory_space<vmem>>) offsets(%dma_start3A_65 : memref<80xi32, #tpu.memory_space<vmem>>) semaphore(%arg18 : memref<!tpu.dma_semaphore, #tpu.memory_space<semaphore_mem>>)
      %gt3A = arith.constant 0 : i32
      %gt3A_69 = arith.cmpi sgt, %scan3A_46, %gt3A : i32
      %convert_element_type3A = arith.extui %gt3A_69 : i1 to i32
      %cond3A = arith.constant 0 : i32
      %cond3A_70 = arith.cmpi ne, %convert_element_type3A, %cond3A : i32
      scf.if %cond3A_70 {
        %dma_wait3A_114 = arith.constant 0 : i32
        %dma_wait3A_115 = tpu.memref_slice %arg6[%mul3A_2, %dma_wait3A_114] : memref<320000x128xf32, #tpu.memory_space<hbm>> -> memref<80x128xf32, #tpu.memory_space<hbm>>
        %dma_wait3A_116 = arith.constant 0 : i32
        %dma_wait3A_117 = tpu.memref_slice %arg6[%mul3A_2, %dma_wait3A_116] : memref<320000x128xf32, #tpu.memory_space<hbm>> -> memref<80x128xf32, #tpu.memory_space<hbm>>
        tpu.wait_dma2 semaphore(%arg19 : memref<!tpu.dma_semaphore, #tpu.memory_space<semaphore_mem>>) src(%arg13 : memref<80x128xf32, #tpu.memory_space<vmem>>) dst(%dma_wait3A_117 : memref<80x128xf32, #tpu.memory_space<hbm>>)
      } else {
      }
      %parallel_loop3A_71 = arith.constant 0 : i32
      %parallel_loop3A_72 = arith.constant 80 : i32
      %parallel_loop3A_73 = arith.constant 1 : i32
      scf.for %parallel_loop3A_114 = %parallel_loop3A_71 to %parallel_loop3A_72 step %parallel_loop3A_73  : i32 {
        %parallel_loop3A_115 = arith.index_cast %parallel_loop3A_114 : i32 to index
        %parallel_loop3A_116 = arith.constant 0 : index
        %parallel_loop3A_117 = tpu.vector_load %arg9[%parallel_loop3A_115, %parallel_loop3A_116] {strides = array<i32>} : memref<80x128xi32, #tpu.memory_space<vmem>>, vector<1x16xi32>,
        %parallel_loop3A_118 = vector.shape_cast %parallel_loop3A_117 : vector<1x16xi32> to vector<16xi32>
        %parallel_loop3A_119 = arith.constant 16 : i32
        %parallel_loop3A_120 = vector.broadcast %parallel_loop3A_119 : i32 to vector<16xi32>
        %parallel_loop3A_121 = arith.shli %parallel_loop3A_118, %parallel_loop3A_120 : vector<16xi32>
        %parallel_loop3A_122 = tpu.bitcast %parallel_loop3A_121 : vector<16xi32> -> vector<16xf32>
        %parallel_loop3A_123 = arith.constant -65536 : i32
        %parallel_loop3A_124 = vector.broadcast %parallel_loop3A_123 : i32 to vector<16xi32>
        %parallel_loop3A_125 = arith.andi %parallel_loop3A_118, %parallel_loop3A_124 : vector<16xi32>
        %parallel_loop3A_126 = tpu.bitcast %parallel_loop3A_125 : vector<16xi32> -> vector<16xf32>
        %parallel_loop3A_127 = arith.index_cast %parallel_loop3A_114 : i32 to index
        %parallel_loop3A_128 = arith.constant 64 : index
        %parallel_loop3A_129 = tpu.vector_load %arg9[%parallel_loop3A_127, %parallel_loop3A_128] {strides = array<i32>} : memref<80x128xi32, #tpu.memory_space<vmem>>, vector<1x16xi32>,
        %parallel_loop3A_130 = vector.shape_cast %parallel_loop3A_129 : vector<1x16xi32> to vector<16xi32>
        %parallel_loop3A_131 = arith.constant 16 : i32
        %parallel_loop3A_132 = vector.broadcast %parallel_loop3A_131 : i32 to vector<16xi32>
        %parallel_loop3A_133 = arith.shli %parallel_loop3A_130, %parallel_loop3A_132 : vector<16xi32>
        %parallel_loop3A_134 = tpu.bitcast %parallel_loop3A_133 : vector<16xi32> -> vector<16xf32>
        %parallel_loop3A_135 = arith.constant -65536 : i32
        %parallel_loop3A_136 = vector.broadcast %parallel_loop3A_135 : i32 to vector<16xi32>
        %parallel_loop3A_137 = arith.andi %parallel_loop3A_130, %parallel_loop3A_136 : vector<16xi32>
        %parallel_loop3A_138 = tpu.bitcast %parallel_loop3A_137 : vector<16xi32> -> vector<16xf32>
        %parallel_loop3A_139 = arith.index_cast %parallel_loop3A_114 : i32 to index
        %parallel_loop3A_140 = arith.constant 0 : index
        %parallel_loop3A_141 = tpu.vector_load %arg11[%parallel_loop3A_139, %parallel_loop3A_140] {strides = array<i32>} : memref<80x128xf32, #tpu.memory_space<vmem>>, vector<1x16xf32>,
        %parallel_loop3A_142 = vector.shape_cast %parallel_loop3A_141 : vector<1x16xf32> to vector<16xf32>
        %parallel_loop3A_143 = arith.index_cast %parallel_loop3A_114 : i32 to index
        %parallel_loop3A_144 = arith.constant 16 : index
        %parallel_loop3A_145 = tpu.vector_load %arg11[%parallel_loop3A_143, %parallel_loop3A_144] {strides = array<i32>} : memref<80x128xf32, #tpu.memory_space<vmem>>, vector<1x16xf32>,
        %parallel_loop3A_146 = vector.shape_cast %parallel_loop3A_145 : vector<1x16xf32> to vector<16xf32>
        %parallel_loop3A_147 = arith.addf %parallel_loop3A_142, %parallel_loop3A_134 : vector<16xf32>
        %parallel_loop3A_148 = arith.constant 0.000000e+00 : f32
        %parallel_loop3A_149 = vector.broadcast %parallel_loop3A_148 : f32 to vector<16xf32>
        %parallel_loop3A_150 = arith.subf %parallel_loop3A_149, %parallel_loop3A_147 : vector<16xf32>
        %parallel_loop3A_151 = math.exp %parallel_loop3A_150 : vector<16xf32>
        %parallel_loop3A_152 = arith.constant 1.000000e+00 : f32
        %parallel_loop3A_153 = vector.broadcast %parallel_loop3A_152 : f32 to vector<16xf32>
        %parallel_loop3A_154 = arith.addf %parallel_loop3A_153, %parallel_loop3A_151 : vector<16xf32>
        %parallel_loop3A_155 = arith.divf %parallel_loop3A_122, %parallel_loop3A_154 : vector<16xf32>
        %parallel_loop3A_156 = arith.index_cast %parallel_loop3A_114 : i32 to index
        %parallel_loop3A_157 = arith.constant 0 : index
        %parallel_loop3A_158 = tpu.vector_load %arg13[%parallel_loop3A_156, %parallel_loop3A_157] {strides = array<i32>} : memref<80x128xf32, #tpu.memory_space<vmem>>, vector<1x16xf32>,
        %parallel_loop3A_159 = vector.shape_cast %parallel_loop3A_158 : vector<1x16xf32> to vector<16xf32>
        %parallel_loop3A_160 = vector.shape_cast %parallel_loop3A_155 : vector<16xf32> to vector<1x16xf32>
        tpu.vector_store %arg13[%parallel_loop3A_156, %parallel_loop3A_157], %parallel_loop3A_160 {strides = array<i32>} : memref<80x128xf32, #tpu.memory_space<vmem>>, vector<1x16xf32>,
        %parallel_loop3A_161 = arith.addf %parallel_loop3A_146, %parallel_loop3A_138 : vector<16xf32>
        %parallel_loop3A_162 = arith.constant 0.000000e+00 : f32
        %parallel_loop3A_163 = vector.broadcast %parallel_loop3A_162 : f32 to vector<16xf32>
        %parallel_loop3A_164 = arith.subf %parallel_loop3A_163, %parallel_loop3A_161 : vector<16xf32>
        %parallel_loop3A_165 = math.exp %parallel_loop3A_164 : vector<16xf32>
        %parallel_loop3A_166 = arith.constant 1.000000e+00 : f32
        %parallel_loop3A_167 = vector.broadcast %parallel_loop3A_166 : f32 to vector<16xf32>
        %parallel_loop3A_168 = arith.addf %parallel_loop3A_167, %parallel_loop3A_165 : vector<16xf32>
        %parallel_loop3A_169 = arith.divf %parallel_loop3A_126, %parallel_loop3A_168 : vector<16xf32>
        %parallel_loop3A_170 = arith.index_cast %parallel_loop3A_114 : i32 to index
        %parallel_loop3A_171 = arith.constant 16 : index
        %parallel_loop3A_172 = tpu.vector_load %arg13[%parallel_loop3A_170, %parallel_loop3A_171] {strides = array<i32>} : memref<80x128xf32, #tpu.memory_space<vmem>>, vector<1x16xf32>,
        %parallel_loop3A_173 = vector.shape_cast %parallel_loop3A_172 : vector<1x16xf32> to vector<16xf32>
        %parallel_loop3A_174 = vector.shape_cast %parallel_loop3A_169 : vector<16xf32> to vector<1x16xf32>
        tpu.vector_store %arg13[%parallel_loop3A_170, %parallel_loop3A_171], %parallel_loop3A_174 {strides = array<i32>} : memref<80x128xf32, #tpu.memory_space<vmem>>, vector<1x16xf32>,
        %parallel_loop3A_175 = arith.index_cast %parallel_loop3A_114 : i32 to index
        %parallel_loop3A_176 = arith.constant 16 : index
        %parallel_loop3A_177 = tpu.vector_load %arg9[%parallel_loop3A_175, %parallel_loop3A_176] {strides = array<i32>} : memref<80x128xi32, #tpu.memory_space<vmem>>, vector<1x16xi32>,
        %parallel_loop3A_178 = vector.shape_cast %parallel_loop3A_177 : vector<1x16xi32> to vector<16xi32>
        %parallel_loop3A_179 = arith.constant 16 : i32
        %parallel_loop3A_180 = vector.broadcast %parallel_loop3A_179 : i32 to vector<16xi32>
        %parallel_loop3A_181 = arith.shli %parallel_loop3A_178, %parallel_loop3A_180 : vector<16xi32>
        %parallel_loop3A_182 = tpu.bitcast %parallel_loop3A_181 : vector<16xi32> -> vector<16xf32>
        %parallel_loop3A_183 = arith.constant -65536 : i32
        %parallel_loop3A_184 = vector.broadcast %parallel_loop3A_183 : i32 to vector<16xi32>
        %parallel_loop3A_185 = arith.andi %parallel_loop3A_178, %parallel_loop3A_184 : vector<16xi32>
        %parallel_loop3A_186 = tpu.bitcast %parallel_loop3A_185 : vector<16xi32> -> vector<16xf32>
        %parallel_loop3A_187 = arith.index_cast %parallel_loop3A_114 : i32 to index
        %parallel_loop3A_188 = arith.constant 80 : index
        %parallel_loop3A_189 = tpu.vector_load %arg9[%parallel_loop3A_187, %parallel_loop3A_188] {strides = array<i32>} : memref<80x128xi32, #tpu.memory_space<vmem>>, vector<1x16xi32>,
        %parallel_loop3A_190 = vector.shape_cast %parallel_loop3A_189 : vector<1x16xi32> to vector<16xi32>
        %parallel_loop3A_191 = arith.constant 16 : i32
        %parallel_loop3A_192 = vector.broadcast %parallel_loop3A_191 : i32 to vector<16xi32>
        %parallel_loop3A_193 = arith.shli %parallel_loop3A_190, %parallel_loop3A_192 : vector<16xi32>
        %parallel_loop3A_194 = tpu.bitcast %parallel_loop3A_193 : vector<16xi32> -> vector<16xf32>
        %parallel_loop3A_195 = arith.constant -65536 : i32
        %parallel_loop3A_196 = vector.broadcast %parallel_loop3A_195 : i32 to vector<16xi32>
        %parallel_loop3A_197 = arith.andi %parallel_loop3A_190, %parallel_loop3A_196 : vector<16xi32>
        %parallel_loop3A_198 = tpu.bitcast %parallel_loop3A_197 : vector<16xi32> -> vector<16xf32>
        %parallel_loop3A_199 = arith.index_cast %parallel_loop3A_114 : i32 to index
        %parallel_loop3A_200 = arith.constant 32 : index
        %parallel_loop3A_201 = tpu.vector_load %arg11[%parallel_loop3A_199, %parallel_loop3A_200] {strides = array<i32>} : memref<80x128xf32, #tpu.memory_space<vmem>>, vector<1x16xf32>,
        %parallel_loop3A_202 = vector.shape_cast %parallel_loop3A_201 : vector<1x16xf32> to vector<16xf32>
        %parallel_loop3A_203 = arith.index_cast %parallel_loop3A_114 : i32 to index
        %parallel_loop3A_204 = arith.constant 48 : index
        %parallel_loop3A_205 = tpu.vector_load %arg11[%parallel_loop3A_203, %parallel_loop3A_204] {strides = array<i32>} : memref<80x128xf32, #tpu.memory_space<vmem>>, vector<1x16xf32>,
        %parallel_loop3A_206 = vector.shape_cast %parallel_loop3A_205 : vector<1x16xf32> to vector<16xf32>
        %parallel_loop3A_207 = arith.addf %parallel_loop3A_202, %parallel_loop3A_194 : vector<16xf32>
        %parallel_loop3A_208 = arith.constant 0.000000e+00 : f32
        %parallel_loop3A_209 = vector.broadcast %parallel_loop3A_208 : f32 to vector<16xf32>
        %parallel_loop3A_210 = arith.subf %parallel_loop3A_209, %parallel_loop3A_207 : vector<16xf32>
        %parallel_loop3A_211 = math.exp %parallel_loop3A_210 : vector<16xf32>
        %parallel_loop3A_212 = arith.constant 1.000000e+00 : f32
        %parallel_loop3A_213 = vector.broadcast %parallel_loop3A_212 : f32 to vector<16xf32>
        %parallel_loop3A_214 = arith.addf %parallel_loop3A_213, %parallel_loop3A_211 : vector<16xf32>
        %parallel_loop3A_215 = arith.divf %parallel_loop3A_182, %parallel_loop3A_214 : vector<16xf32>
        %parallel_loop3A_216 = arith.index_cast %parallel_loop3A_114 : i32 to index
        %parallel_loop3A_217 = arith.constant 32 : index
        %parallel_loop3A_218 = tpu.vector_load %arg13[%parallel_loop3A_216, %parallel_loop3A_217] {strides = array<i32>} : memref<80x128xf32, #tpu.memory_space<vmem>>, vector<1x16xf32>,
        %parallel_loop3A_219 = vector.shape_cast %parallel_loop3A_218 : vector<1x16xf32> to vector<16xf32>
        %parallel_loop3A_220 = vector.shape_cast %parallel_loop3A_215 : vector<16xf32> to vector<1x16xf32>
        tpu.vector_store %arg13[%parallel_loop3A_216, %parallel_loop3A_217], %parallel_loop3A_220 {strides = array<i32>} : memref<80x128xf32, #tpu.memory_space<vmem>>, vector<1x16xf32>,
        %parallel_loop3A_221 = arith.addf %parallel_loop3A_206, %parallel_loop3A_198 : vector<16xf32>
        %parallel_loop3A_222 = arith.constant 0.000000e+00 : f32
        %parallel_loop3A_223 = vector.broadcast %parallel_loop3A_222 : f32 to vector<16xf32>
        %parallel_loop3A_224 = arith.subf %parallel_loop3A_223, %parallel_loop3A_221 : vector<16xf32>
        %parallel_loop3A_225 = math.exp %parallel_loop3A_224 : vector<16xf32>
        %parallel_loop3A_226 = arith.constant 1.000000e+00 : f32
        %parallel_loop3A_227 = vector.broadcast %parallel_loop3A_226 : f32 to vector<16xf32>
        %parallel_loop3A_228 = arith.addf %parallel_loop3A_227, %parallel_loop3A_225 : vector<16xf32>
        %parallel_loop3A_229 = arith.divf %parallel_loop3A_186, %parallel_loop3A_228 : vector<16xf32>
        %parallel_loop3A_230 = arith.index_cast %parallel_loop3A_114 : i32 to index
        %parallel_loop3A_231 = arith.constant 48 : index
        %parallel_loop3A_232 = tpu.vector_load %arg13[%parallel_loop3A_230, %parallel_loop3A_231] {strides = array<i32>} : memref<80x128xf32, #tpu.memory_space<vmem>>, vector<1x16xf32>,
        %parallel_loop3A_233 = vector.shape_cast %parallel_loop3A_232 : vector<1x16xf32> to vector<16xf32>
        %parallel_loop3A_234 = vector.shape_cast %parallel_loop3A_229 : vector<16xf32> to vector<1x16xf32>
        tpu.vector_store %arg13[%parallel_loop3A_230, %parallel_loop3A_231], %parallel_loop3A_234 {strides = array<i32>} : memref<80x128xf32, #tpu.memory_space<vmem>>, vector<1x16xf32>,
        %parallel_loop3A_235 = arith.index_cast %parallel_loop3A_114 : i32 to index
        %parallel_loop3A_236 = arith.constant 32 : index
        %parallel_loop3A_237 = tpu.vector_load %arg9[%parallel_loop3A_235, %parallel_loop3A_236] {strides = array<i32>} : memref<80x128xi32, #tpu.memory_space<vmem>>, vector<1x16xi32>,
        %parallel_loop3A_238 = vector.shape_cast %parallel_loop3A_237 : vector<1x16xi32> to vector<16xi32>
        %parallel_loop3A_239 = arith.constant 16 : i32
        %parallel_loop3A_240 = vector.broadcast %parallel_loop3A_239 : i32 to vector<16xi32>
        %parallel_loop3A_241 = arith.shli %parallel_loop3A_238, %parallel_loop3A_240 : vector<16xi32>
        %parallel_loop3A_242 = tpu.bitcast %parallel_loop3A_241 : vector<16xi32> -> vector<16xf32>
        %parallel_loop3A_243 = arith.constant -65536 : i32
        %parallel_loop3A_244 = vector.broadcast %parallel_loop3A_243 : i32 to vector<16xi32>
        %parallel_loop3A_245 = arith.andi %parallel_loop3A_238, %parallel_loop3A_244 : vector<16xi32>
        %parallel_loop3A_246 = tpu.bitcast %parallel_loop3A_245 : vector<16xi32> -> vector<16xf32>
        %parallel_loop3A_247 = arith.index_cast %parallel_loop3A_114 : i32 to index
        %parallel_loop3A_248 = arith.constant 96 : index
        %parallel_loop3A_249 = tpu.vector_load %arg9[%parallel_loop3A_247, %parallel_loop3A_248] {strides = array<i32>} : memref<80x128xi32, #tpu.memory_space<vmem>>, vector<1x16xi32>,
        %parallel_loop3A_250 = vector.shape_cast %parallel_loop3A_249 : vector<1x16xi32> to vector<16xi32>
        %parallel_loop3A_251 = arith.constant 16 : i32
        %parallel_loop3A_252 = vector.broadcast %parallel_loop3A_251 : i32 to vector<16xi32>
        %parallel_loop3A_253 = arith.shli %parallel_loop3A_250, %parallel_loop3A_252 : vector<16xi32>
        %parallel_loop3A_254 = tpu.bitcast %parallel_loop3A_253 : vector<16xi32> -> vector<16xf32>
        %parallel_loop3A_255 = arith.constant -65536 : i32
        %parallel_loop3A_256 = vector.broadcast %parallel_loop3A_255 : i32 to vector<16xi32>
        %parallel_loop3A_257 = arith.andi %parallel_loop3A_250, %parallel_loop3A_256 : vector<16xi32>
        %parallel_loop3A_258 = tpu.bitcast %parallel_loop3A_257 : vector<16xi32> -> vector<16xf32>
        %parallel_loop3A_259 = arith.index_cast %parallel_loop3A_114 : i32 to index
        %parallel_loop3A_260 = arith.constant 64 : index
        %parallel_loop3A_261 = tpu.vector_load %arg11[%parallel_loop3A_259, %parallel_loop3A_260] {strides = array<i32>} : memref<80x128xf32, #tpu.memory_space<vmem>>, vector<1x16xf32>,
        %parallel_loop3A_262 = vector.shape_cast %parallel_loop3A_261 : vector<1x16xf32> to vector<16xf32>
        %parallel_loop3A_263 = arith.index_cast %parallel_loop3A_114 : i32 to index
        %parallel_loop3A_264 = arith.constant 80 : index
        %parallel_loop3A_265 = tpu.vector_load %arg11[%parallel_loop3A_263, %parallel_loop3A_264] {strides = array<i32>} : memref<80x128xf32, #tpu.memory_space<vmem>>, vector<1x16xf32>,
        %parallel_loop3A_266 = vector.shape_cast %parallel_loop3A_265 : vector<1x16xf32> to vector<16xf32>
        %parallel_loop3A_267 = arith.addf %parallel_loop3A_262, %parallel_loop3A_254 : vector<16xf32>
        %parallel_loop3A_268 = arith.constant 0.000000e+00 : f32
        %parallel_loop3A_269 = vector.broadcast %parallel_loop3A_268 : f32 to vector<16xf32>
        %parallel_loop3A_270 = arith.subf %parallel_loop3A_269, %parallel_loop3A_267 : vector<16xf32>
        %parallel_loop3A_271 = math.exp %parallel_loop3A_270 : vector<16xf32>
        %parallel_loop3A_272 = arith.constant 1.000000e+00 : f32
        %parallel_loop3A_273 = vector.broadcast %parallel_loop3A_272 : f32 to vector<16xf32>
        %parallel_loop3A_274 = arith.addf %parallel_loop3A_273, %parallel_loop3A_271 : vector<16xf32>
        %parallel_loop3A_275 = arith.divf %parallel_loop3A_242, %parallel_loop3A_274 : vector<16xf32>
        %parallel_loop3A_276 = arith.index_cast %parallel_loop3A_114 : i32 to index
        %parallel_loop3A_277 = arith.constant 64 : index
        %parallel_loop3A_278 = tpu.vector_load %arg13[%parallel_loop3A_276, %parallel_loop3A_277] {strides = array<i32>} : memref<80x128xf32, #tpu.memory_space<vmem>>, vector<1x16xf32>,
        %parallel_loop3A_279 = vector.shape_cast %parallel_loop3A_278 : vector<1x16xf32> to vector<16xf32>
        %parallel_loop3A_280 = vector.shape_cast %parallel_loop3A_275 : vector<16xf32> to vector<1x16xf32>
        tpu.vector_store %arg13[%parallel_loop3A_276, %parallel_loop3A_277], %parallel_loop3A_280 {strides = array<i32>} : memref<80x128xf32, #tpu.memory_space<vmem>>, vector<1x16xf32>,
        %parallel_loop3A_281 = arith.addf %parallel_loop3A_266, %parallel_loop3A_258 : vector<16xf32>
        %parallel_loop3A_282 = arith.constant 0.000000e+00 : f32
        %parallel_loop3A_283 = vector.broadcast %parallel_loop3A_282 : f32 to vector<16xf32>
        %parallel_loop3A_284 = arith.subf %parallel_loop3A_283, %parallel_loop3A_281 : vector<16xf32>
        %parallel_loop3A_285 = math.exp %parallel_loop3A_284 : vector<16xf32>
        %parallel_loop3A_286 = arith.constant 1.000000e+00 : f32
        %parallel_loop3A_287 = vector.broadcast %parallel_loop3A_286 : f32 to vector<16xf32>
        %parallel_loop3A_288 = arith.addf %parallel_loop3A_287, %parallel_loop3A_285 : vector<16xf32>
        %parallel_loop3A_289 = arith.divf %parallel_loop3A_246, %parallel_loop3A_288 : vector<16xf32>
        %parallel_loop3A_290 = arith.index_cast %parallel_loop3A_114 : i32 to index
        %parallel_loop3A_291 = arith.constant 80 : index
        %parallel_loop3A_292 = tpu.vector_load %arg13[%parallel_loop3A_290, %parallel_loop3A_291] {strides = array<i32>} : memref<80x128xf32, #tpu.memory_space<vmem>>, vector<1x16xf32>,
        %parallel_loop3A_293 = vector.shape_cast %parallel_loop3A_292 : vector<1x16xf32> to vector<16xf32>
        %parallel_loop3A_294 = vector.shape_cast %parallel_loop3A_289 : vector<16xf32> to vector<1x16xf32>
        tpu.vector_store %arg13[%parallel_loop3A_290, %parallel_loop3A_291], %parallel_loop3A_294 {strides = array<i32>} : memref<80x128xf32, #tpu.memory_space<vmem>>, vector<1x16xf32>,
        %parallel_loop3A_295 = arith.index_cast %parallel_loop3A_114 : i32 to index
        %parallel_loop3A_296 = arith.constant 48 : index
        %parallel_loop3A_297 = tpu.vector_load %arg9[%parallel_loop3A_295, %parallel_loop3A_296] {strides = array<i32>} : memref<80x128xi32, #tpu.memory_space<vmem>>, vector<1x16xi32>,
        %parallel_loop3A_298 = vector.shape_cast %parallel_loop3A_297 : vector<1x16xi32> to vector<16xi32>
        %parallel_loop3A_299 = arith.constant 16 : i32
        %parallel_loop3A_300 = vector.broadcast %parallel_loop3A_299 : i32 to vector<16xi32>
        %parallel_loop3A_301 = arith.shli %parallel_loop3A_298, %parallel_loop3A_300 : vector<16xi32>
        %parallel_loop3A_302 = tpu.bitcast %parallel_loop3A_301 : vector<16xi32> -> vector<16xf32>
        %parallel_loop3A_303 = arith.constant -65536 : i32
        %parallel_loop3A_304 = vector.broadcast %parallel_loop3A_303 : i32 to vector<16xi32>
        %parallel_loop3A_305 = arith.andi %parallel_loop3A_298, %parallel_loop3A_304 : vector<16xi32>
        %parallel_loop3A_306 = tpu.bitcast %parallel_loop3A_305 : vector<16xi32> -> vector<16xf32>
        %parallel_loop3A_307 = arith.index_cast %parallel_loop3A_114 : i32 to index
        %parallel_loop3A_308 = arith.constant 112 : index
        %parallel_loop3A_309 = tpu.vector_load %arg9[%parallel_loop3A_307, %parallel_loop3A_308] {strides = array<i32>} : memref<80x128xi32, #tpu.memory_space<vmem>>, vector<1x16xi32>,
        %parallel_loop3A_310 = vector.shape_cast %parallel_loop3A_309 : vector<1x16xi32> to vector<16xi32>
        %parallel_loop3A_311 = arith.constant 16 : i32
        %parallel_loop3A_312 = vector.broadcast %parallel_loop3A_311 : i32 to vector<16xi32>
        %parallel_loop3A_313 = arith.shli %parallel_loop3A_310, %parallel_loop3A_312 : vector<16xi32>
        %parallel_loop3A_314 = tpu.bitcast %parallel_loop3A_313 : vector<16xi32> -> vector<16xf32>
        %parallel_loop3A_315 = arith.constant -65536 : i32
        %parallel_loop3A_316 = vector.broadcast %parallel_loop3A_315 : i32 to vector<16xi32>
        %parallel_loop3A_317 = arith.andi %parallel_loop3A_310, %parallel_loop3A_316 : vector<16xi32>
        %parallel_loop3A_318 = tpu.bitcast %parallel_loop3A_317 : vector<16xi32> -> vector<16xf32>
        %parallel_loop3A_319 = arith.index_cast %parallel_loop3A_114 : i32 to index
        %parallel_loop3A_320 = arith.constant 96 : index
        %parallel_loop3A_321 = tpu.vector_load %arg11[%parallel_loop3A_319, %parallel_loop3A_320] {strides = array<i32>} : memref<80x128xf32, #tpu.memory_space<vmem>>, vector<1x16xf32>,
        %parallel_loop3A_322 = vector.shape_cast %parallel_loop3A_321 : vector<1x16xf32> to vector<16xf32>
        %parallel_loop3A_323 = arith.index_cast %parallel_loop3A_114 : i32 to index
        %parallel_loop3A_324 = arith.constant 112 : index
        %parallel_loop3A_325 = tpu.vector_load %arg11[%parallel_loop3A_323, %parallel_loop3A_324] {strides = array<i32>} : memref<80x128xf32, #tpu.memory_space<vmem>>, vector<1x16xf32>,
        %parallel_loop3A_326 = vector.shape_cast %parallel_loop3A_325 : vector<1x16xf32> to vector<16xf32>
        %parallel_loop3A_327 = arith.addf %parallel_loop3A_322, %parallel_loop3A_314 : vector<16xf32>
        %parallel_loop3A_328 = arith.constant 0.000000e+00 : f32
        %parallel_loop3A_329 = vector.broadcast %parallel_loop3A_328 : f32 to vector<16xf32>
        %parallel_loop3A_330 = arith.subf %parallel_loop3A_329, %parallel_loop3A_327 : vector<16xf32>
        %parallel_loop3A_331 = math.exp %parallel_loop3A_330 : vector<16xf32>
        %parallel_loop3A_332 = arith.constant 1.000000e+00 : f32
        %parallel_loop3A_333 = vector.broadcast %parallel_loop3A_332 : f32 to vector<16xf32>
        %parallel_loop3A_334 = arith.addf %parallel_loop3A_333, %parallel_loop3A_331 : vector<16xf32>
        %parallel_loop3A_335 = arith.divf %parallel_loop3A_302, %parallel_loop3A_334 : vector<16xf32>
        %parallel_loop3A_336 = arith.index_cast %parallel_loop3A_114 : i32 to index
        %parallel_loop3A_337 = arith.constant 96 : index
        %parallel_loop3A_338 = tpu.vector_load %arg13[%parallel_loop3A_336, %parallel_loop3A_337] {strides = array<i32>} : memref<80x128xf32, #tpu.memory_space<vmem>>, vector<1x16xf32>,
        %parallel_loop3A_339 = vector.shape_cast %parallel_loop3A_338 : vector<1x16xf32> to vector<16xf32>
        %parallel_loop3A_340 = vector.shape_cast %parallel_loop3A_335 : vector<16xf32> to vector<1x16xf32>
        tpu.vector_store %arg13[%parallel_loop3A_336, %parallel_loop3A_337], %parallel_loop3A_340 {strides = array<i32>} : memref<80x128xf32, #tpu.memory_space<vmem>>, vector<1x16xf32>,
        %parallel_loop3A_341 = arith.addf %parallel_loop3A_326, %parallel_loop3A_318 : vector<16xf32>
        %parallel_loop3A_342 = arith.constant 0.000000e+00 : f32
        %parallel_loop3A_343 = vector.broadcast %parallel_loop3A_342 : f32 to vector<16xf32>
        %parallel_loop3A_344 = arith.subf %parallel_loop3A_343, %parallel_loop3A_341 : vector<16xf32>
        %parallel_loop3A_345 = math.exp %parallel_loop3A_344 : vector<16xf32>
        %parallel_loop3A_346 = arith.constant 1.000000e+00 : f32
        %parallel_loop3A_347 = vector.broadcast %parallel_loop3A_346 : f32 to vector<16xf32>
        %parallel_loop3A_348 = arith.addf %parallel_loop3A_347, %parallel_loop3A_345 : vector<16xf32>
        %parallel_loop3A_349 = arith.divf %parallel_loop3A_306, %parallel_loop3A_348 : vector<16xf32>
        %parallel_loop3A_350 = arith.index_cast %parallel_loop3A_114 : i32 to index
        %parallel_loop3A_351 = arith.constant 112 : index
        %parallel_loop3A_352 = tpu.vector_load %arg13[%parallel_loop3A_350, %parallel_loop3A_351] {strides = array<i32>} : memref<80x128xf32, #tpu.memory_space<vmem>>, vector<1x16xf32>,
        %parallel_loop3A_353 = vector.shape_cast %parallel_loop3A_352 : vector<1x16xf32> to vector<16xf32>
        %parallel_loop3A_354 = vector.shape_cast %parallel_loop3A_349 : vector<16xf32> to vector<1x16xf32>
        tpu.vector_store %arg13[%parallel_loop3A_350, %parallel_loop3A_351], %parallel_loop3A_354 {strides = array<i32>} : memref<80x128xf32, #tpu.memory_space<vmem>>, vector<1x16xf32>,
      } {sc.loop_unroll_factor = 1 : i64, sc.parallel_access}
      %add3A_74 = arith.addi %mul3A_2, %mul3A_50 : i32
      %dma_start3A_75 = arith.constant 0 : i32
      %dma_start3A_76 = tpu.memref_slice %arg6[%add3A_74, %dma_start3A_75] : memref<320000x128xf32, #tpu.memory_space<hbm>> -> memref<80x128xf32, #tpu.memory_space<hbm>>
      %dma_start3A_77 = arith.constant 0 : i32
      %dma_start3A_78 = tpu.memref_slice %arg6[%add3A_74, %dma_start3A_77] : memref<320000x128xf32, #tpu.memory_space<hbm>> -> memref<80x128xf32, #tpu.memory_space<hbm>>
      tpu.enqueue_dma source(%arg13 : memref<80x128xf32, #tpu.memory_space<vmem>>) target(%dma_start3A_78 : memref<80x128xf32, #tpu.memory_space<hbm>>) target_semaphore(%arg19 : memref<!tpu.dma_semaphore, #tpu.memory_space<semaphore_mem>>)
      %add3A_79 = arith.constant 80 : i32
      %add3A_80 = arith.addi %mul3A_50, %add3A_79 : i32
      %dma_wait3A_81 = tpu.memref_slice %arg7[%add3A_80] : memref<10000xi32, #tpu.memory_space<vmem>> -> memref<80xi32, #tpu.memory_space<vmem>>
      %dma_wait3A_82 = arith.constant 0 : i32
      %dma_wait3A_83 = arith.constant 0 : i32
      %dma_wait3A_84 = tpu.memref_slice %arg2[%dma_wait3A_82, %dma_wait3A_83] : memref<10000x128xi32, #tpu.memory_space<hbm>> -> memref<10000x128xi32, #tpu.memory_space<hbm>>
      tpu.wait_indirect_dma semaphore(%arg16 : memref<!tpu.dma_semaphore, #tpu.memory_space<semaphore_mem>>) src(%dma_wait3A_84 : memref<10000x128xi32, #tpu.memory_space<hbm>>) dst(%arg10 : memref<80x128xi32, #tpu.memory_space<vmem>>)
      %dma_wait3A_85 = tpu.memref_slice %arg8[%add3A_80] : memref<10000xi32, #tpu.memory_space<vmem>> -> memref<80xi32, #tpu.memory_space<vmem>>
      %dma_wait3A_86 = arith.constant 0 : i32
      %dma_wait3A_87 = arith.constant 0 : i32
      %dma_wait3A_88 = tpu.memref_slice %arg3[%dma_wait3A_86, %dma_wait3A_87] : memref<10000x128xf32, #tpu.memory_space<hbm>> -> memref<10000x128xf32, #tpu.memory_space<hbm>>
      tpu.wait_indirect_dma semaphore(%arg18 : memref<!tpu.dma_semaphore, #tpu.memory_space<semaphore_mem>>) src(%dma_wait3A_88 : memref<10000x128xf32, #tpu.memory_space<hbm>>) dst(%arg12 : memref<80x128xf32, #tpu.memory_space<vmem>>)
      %add3A_89 = arith.constant 160 : i32
      %add3A_90 = arith.addi %mul3A_50, %add3A_89 : i32
      %dma_start3A_91 = tpu.memref_slice %arg7[%add3A_90] : memref<10000xi32, #tpu.memory_space<vmem>> -> memref<80xi32, #tpu.memory_space<vmem>>
      %dma_start3A_92 = arith.constant 0 : i32
      %dma_start3A_93 = arith.constant 0 : i32
      %dma_start3A_94 = tpu.memref_slice %arg2[%dma_start3A_92, %dma_start3A_93] : memref<10000x128xi32, #tpu.memory_space<hbm>> -> memref<10000x128xi32, #tpu.memory_space<hbm>>
      tpu.enqueue_indirect_dma source(%dma_start3A_94 : memref<10000x128xi32, #tpu.memory_space<hbm>>) target(%arg9 : memref<80x128xi32, #tpu.memory_space<vmem>>) offsets(%dma_start3A_91 : memref<80xi32, #tpu.memory_space<vmem>>) semaphore(%arg15 : memref<!tpu.dma_semaphore, #tpu.memory_space<semaphore_mem>>)
      %dma_start3A_95 = tpu.memref_slice %arg8[%add3A_90] : memref<10000xi32, #tpu.memory_space<vmem>> -> memref<80xi32, #tpu.memory_space<vmem>>
      %dma_start3A_96 = arith.constant 0 : i32
      %dma_start3A_97 = arith.constant 0 : i32
      %dma_start3A_98 = tpu.memref_slice %arg3[%dma_start3A_96, %dma_start3A_97] : memref<10000x128xf32, #tpu.memory_space<hbm>> -> memref<10000x128xf32, #tpu.memory_space<hbm>>
      tpu.enqueue_indirect_dma source(%dma_start3A_98 : memref<10000x128xf32, #tpu.memory_space<hbm>>) target(%arg11 : memref<80x128xf32, #tpu.memory_space<vmem>>) offsets(%dma_start3A_95 : memref<80xi32, #tpu.memory_space<vmem>>) semaphore(%arg17 : memref<!tpu.dma_semaphore, #tpu.memory_space<semaphore_mem>>)
      %gt3A_99 = arith.constant 0 : i32
      %gt3A_100 = arith.cmpi sgt, %scan3A_46, %gt3A_99 : i32
      %convert_element_type3A_101 = arith.extui %gt3A_100 : i1 to i32
      %cond3A_102 = arith.constant 0 : i32
      %cond3A_103 = arith.cmpi ne, %convert_element_type3A_101, %cond3A_102 : i32
      scf.if %cond3A_103 {
        %dma_wait3A_114 = arith.constant 0 : i32
        %dma_wait3A_115 = tpu.memref_slice %arg6[%mul3A_2, %dma_wait3A_114] : memref<320000x128xf32, #tpu.memory_space<hbm>> -> memref<80x128xf32, #tpu.memory_space<hbm>>
        %dma_wait3A_116 = arith.constant 0 : i32
        %dma_wait3A_117 = tpu.memref_slice %arg6[%mul3A_2, %dma_wait3A_116] : memref<320000x128xf32, #tpu.memory_space<hbm>> -> memref<80x128xf32, #tpu.memory_space<hbm>>
        tpu.wait_dma2 semaphore(%arg20 : memref<!tpu.dma_semaphore, #tpu.memory_space<semaphore_mem>>) src(%arg14 : memref<80x128xf32, #tpu.memory_space<vmem>>) dst(%dma_wait3A_117 : memref<80x128xf32, #tpu.memory_space<hbm>>)
      } else {
      }
      %parallel_loop3A_104 = arith.constant 0 : i32
      %parallel_loop3A_105 = arith.constant 80 : i32
      %parallel_loop3A_106 = arith.constant 1 : i32
      scf.for %parallel_loop3A_114 = %parallel_loop3A_104 to %parallel_loop3A_105 step %parallel_loop3A_106  : i32 {
        %parallel_loop3A_115 = arith.index_cast %parallel_loop3A_114 : i32 to index
        %parallel_loop3A_116 = arith.constant 0 : index
        %parallel_loop3A_117 = tpu.vector_load %arg10[%parallel_loop3A_115, %parallel_loop3A_116] {strides = array<i32>} : memref<80x128xi32, #tpu.memory_space<vmem>>, vector<1x16xi32>,
        %parallel_loop3A_118 = vector.shape_cast %parallel_loop3A_117 : vector<1x16xi32> to vector<16xi32>
        %parallel_loop3A_119 = arith.constant 16 : i32
        %parallel_loop3A_120 = vector.broadcast %parallel_loop3A_119 : i32 to vector<16xi32>
        %parallel_loop3A_121 = arith.shli %parallel_loop3A_118, %parallel_loop3A_120 : vector<16xi32>
        %parallel_loop3A_122 = tpu.bitcast %parallel_loop3A_121 : vector<16xi32> -> vector<16xf32>
        %parallel_loop3A_123 = arith.constant -65536 : i32
        %parallel_loop3A_124 = vector.broadcast %parallel_loop3A_123 : i32 to vector<16xi32>
        %parallel_loop3A_125 = arith.andi %parallel_loop3A_118, %parallel_loop3A_124 : vector<16xi32>
        %parallel_loop3A_126 = tpu.bitcast %parallel_loop3A_125 : vector<16xi32> -> vector<16xf32>
        %parallel_loop3A_127 = arith.index_cast %parallel_loop3A_114 : i32 to index
        %parallel_loop3A_128 = arith.constant 64 : index
        %parallel_loop3A_129 = tpu.vector_load %arg10[%parallel_loop3A_127, %parallel_loop3A_128] {strides = array<i32>} : memref<80x128xi32, #tpu.memory_space<vmem>>, vector<1x16xi32>,
        %parallel_loop3A_130 = vector.shape_cast %parallel_loop3A_129 : vector<1x16xi32> to vector<16xi32>
        %parallel_loop3A_131 = arith.constant 16 : i32
        %parallel_loop3A_132 = vector.broadcast %parallel_loop3A_131 : i32 to vector<16xi32>
        %parallel_loop3A_133 = arith.shli %parallel_loop3A_130, %parallel_loop3A_132 : vector<16xi32>
        %parallel_loop3A_134 = tpu.bitcast %parallel_loop3A_133 : vector<16xi32> -> vector<16xf32>
        %parallel_loop3A_135 = arith.constant -65536 : i32
        %parallel_loop3A_136 = vector.broadcast %parallel_loop3A_135 : i32 to vector<16xi32>
        %parallel_loop3A_137 = arith.andi %parallel_loop3A_130, %parallel_loop3A_136 : vector<16xi32>
        %parallel_loop3A_138 = tpu.bitcast %parallel_loop3A_137 : vector<16xi32> -> vector<16xf32>
        %parallel_loop3A_139 = arith.index_cast %parallel_loop3A_114 : i32 to index
        %parallel_loop3A_140 = arith.constant 0 : index
        %parallel_loop3A_141 = tpu.vector_load %arg12[%parallel_loop3A_139, %parallel_loop3A_140] {strides = array<i32>} : memref<80x128xf32, #tpu.memory_space<vmem>>, vector<1x16xf32>,
        %parallel_loop3A_142 = vector.shape_cast %parallel_loop3A_141 : vector<1x16xf32> to vector<16xf32>
        %parallel_loop3A_143 = arith.index_cast %parallel_loop3A_114 : i32 to index
        %parallel_loop3A_144 = arith.constant 16 : index
        %parallel_loop3A_145 = tpu.vector_load %arg12[%parallel_loop3A_143, %parallel_loop3A_144] {strides = array<i32>} : memref<80x128xf32, #tpu.memory_space<vmem>>, vector<1x16xf32>,
        %parallel_loop3A_146 = vector.shape_cast %parallel_loop3A_145 : vector<1x16xf32> to vector<16xf32>
        %parallel_loop3A_147 = arith.addf %parallel_loop3A_142, %parallel_loop3A_134 : vector<16xf32>
        %parallel_loop3A_148 = arith.constant 0.000000e+00 : f32
        %parallel_loop3A_149 = vector.broadcast %parallel_loop3A_148 : f32 to vector<16xf32>
        %parallel_loop3A_150 = arith.subf %parallel_loop3A_149, %parallel_loop3A_147 : vector<16xf32>
        %parallel_loop3A_151 = math.exp %parallel_loop3A_150 : vector<16xf32>
        %parallel_loop3A_152 = arith.constant 1.000000e+00 : f32
        %parallel_loop3A_153 = vector.broadcast %parallel_loop3A_152 : f32 to vector<16xf32>
        %parallel_loop3A_154 = arith.addf %parallel_loop3A_153, %parallel_loop3A_151 : vector<16xf32>
        %parallel_loop3A_155 = arith.divf %parallel_loop3A_122, %parallel_loop3A_154 : vector<16xf32>
        %parallel_loop3A_156 = arith.index_cast %parallel_loop3A_114 : i32 to index
        %parallel_loop3A_157 = arith.constant 0 : index
        %parallel_loop3A_158 = tpu.vector_load %arg14[%parallel_loop3A_156, %parallel_loop3A_157] {strides = array<i32>} : memref<80x128xf32, #tpu.memory_space<vmem>>, vector<1x16xf32>,
        %parallel_loop3A_159 = vector.shape_cast %parallel_loop3A_158 : vector<1x16xf32> to vector<16xf32>
        %parallel_loop3A_160 = vector.shape_cast %parallel_loop3A_155 : vector<16xf32> to vector<1x16xf32>
        tpu.vector_store %arg14[%parallel_loop3A_156, %parallel_loop3A_157], %parallel_loop3A_160 {strides = array<i32>} : memref<80x128xf32, #tpu.memory_space<vmem>>, vector<1x16xf32>,
        %parallel_loop3A_161 = arith.addf %parallel_loop3A_146, %parallel_loop3A_138 : vector<16xf32>
        %parallel_loop3A_162 = arith.constant 0.000000e+00 : f32
        %parallel_loop3A_163 = vector.broadcast %parallel_loop3A_162 : f32 to vector<16xf32>
        %parallel_loop3A_164 = arith.subf %parallel_loop3A_163, %parallel_loop3A_161 : vector<16xf32>
        %parallel_loop3A_165 = math.exp %parallel_loop3A_164 : vector<16xf32>
        %parallel_loop3A_166 = arith.constant 1.000000e+00 : f32
        %parallel_loop3A_167 = vector.broadcast %parallel_loop3A_166 : f32 to vector<16xf32>
        %parallel_loop3A_168 = arith.addf %parallel_loop3A_167, %parallel_loop3A_165 : vector<16xf32>
        %parallel_loop3A_169 = arith.divf %parallel_loop3A_126, %parallel_loop3A_168 : vector<16xf32>
        %parallel_loop3A_170 = arith.index_cast %parallel_loop3A_114 : i32 to index
        %parallel_loop3A_171 = arith.constant 16 : index
        %parallel_loop3A_172 = tpu.vector_load %arg14[%parallel_loop3A_170, %parallel_loop3A_171] {strides = array<i32>} : memref<80x128xf32, #tpu.memory_space<vmem>>, vector<1x16xf32>,
        %parallel_loop3A_173 = vector.shape_cast %parallel_loop3A_172 : vector<1x16xf32> to vector<16xf32>
        %parallel_loop3A_174 = vector.shape_cast %parallel_loop3A_169 : vector<16xf32> to vector<1x16xf32>
        tpu.vector_store %arg14[%parallel_loop3A_170, %parallel_loop3A_171], %parallel_loop3A_174 {strides = array<i32>} : memref<80x128xf32, #tpu.memory_space<vmem>>, vector<1x16xf32>,
        %parallel_loop3A_175 = arith.index_cast %parallel_loop3A_114 : i32 to index
        %parallel_loop3A_176 = arith.constant 16 : index
        %parallel_loop3A_177 = tpu.vector_load %arg10[%parallel_loop3A_175, %parallel_loop3A_176] {strides = array<i32>} : memref<80x128xi32, #tpu.memory_space<vmem>>, vector<1x16xi32>,
        %parallel_loop3A_178 = vector.shape_cast %parallel_loop3A_177 : vector<1x16xi32> to vector<16xi32>
        %parallel_loop3A_179 = arith.constant 16 : i32
        %parallel_loop3A_180 = vector.broadcast %parallel_loop3A_179 : i32 to vector<16xi32>
        %parallel_loop3A_181 = arith.shli %parallel_loop3A_178, %parallel_loop3A_180 : vector<16xi32>
        %parallel_loop3A_182 = tpu.bitcast %parallel_loop3A_181 : vector<16xi32> -> vector<16xf32>
        %parallel_loop3A_183 = arith.constant -65536 : i32
        %parallel_loop3A_184 = vector.broadcast %parallel_loop3A_183 : i32 to vector<16xi32>
        %parallel_loop3A_185 = arith.andi %parallel_loop3A_178, %parallel_loop3A_184 : vector<16xi32>
        %parallel_loop3A_186 = tpu.bitcast %parallel_loop3A_185 : vector<16xi32> -> vector<16xf32>
        %parallel_loop3A_187 = arith.index_cast %parallel_loop3A_114 : i32 to index
        %parallel_loop3A_188 = arith.constant 80 : index
        %parallel_loop3A_189 = tpu.vector_load %arg10[%parallel_loop3A_187, %parallel_loop3A_188] {strides = array<i32>} : memref<80x128xi32, #tpu.memory_space<vmem>>, vector<1x16xi32>,
        %parallel_loop3A_190 = vector.shape_cast %parallel_loop3A_189 : vector<1x16xi32> to vector<16xi32>
        %parallel_loop3A_191 = arith.constant 16 : i32
        %parallel_loop3A_192 = vector.broadcast %parallel_loop3A_191 : i32 to vector<16xi32>
        %parallel_loop3A_193 = arith.shli %parallel_loop3A_190, %parallel_loop3A_192 : vector<16xi32>
        %parallel_loop3A_194 = tpu.bitcast %parallel_loop3A_193 : vector<16xi32> -> vector<16xf32>
        %parallel_loop3A_195 = arith.constant -65536 : i32
        %parallel_loop3A_196 = vector.broadcast %parallel_loop3A_195 : i32 to vector<16xi32>
        %parallel_loop3A_197 = arith.andi %parallel_loop3A_190, %parallel_loop3A_196 : vector<16xi32>
        %parallel_loop3A_198 = tpu.bitcast %parallel_loop3A_197 : vector<16xi32> -> vector<16xf32>
        %parallel_loop3A_199 = arith.index_cast %parallel_loop3A_114 : i32 to index
        %parallel_loop3A_200 = arith.constant 32 : index
        %parallel_loop3A_201 = tpu.vector_load %arg12[%parallel_loop3A_199, %parallel_loop3A_200] {strides = array<i32>} : memref<80x128xf32, #tpu.memory_space<vmem>>, vector<1x16xf32>,
        %parallel_loop3A_202 = vector.shape_cast %parallel_loop3A_201 : vector<1x16xf32> to vector<16xf32>
        %parallel_loop3A_203 = arith.index_cast %parallel_loop3A_114 : i32 to index
        %parallel_loop3A_204 = arith.constant 48 : index
        %parallel_loop3A_205 = tpu.vector_load %arg12[%parallel_loop3A_203, %parallel_loop3A_204] {strides = array<i32>} : memref<80x128xf32, #tpu.memory_space<vmem>>, vector<1x16xf32>,
        %parallel_loop3A_206 = vector.shape_cast %parallel_loop3A_205 : vector<1x16xf32> to vector<16xf32>
        %parallel_loop3A_207 = arith.addf %parallel_loop3A_202, %parallel_loop3A_194 : vector<16xf32>
        %parallel_loop3A_208 = arith.constant 0.000000e+00 : f32
        %parallel_loop3A_209 = vector.broadcast %parallel_loop3A_208 : f32 to vector<16xf32>
        %parallel_loop3A_210 = arith.subf %parallel_loop3A_209, %parallel_loop3A_207 : vector<16xf32>
        %parallel_loop3A_211 = math.exp %parallel_loop3A_210 : vector<16xf32>
        %parallel_loop3A_212 = arith.constant 1.000000e+00 : f32
        %parallel_loop3A_213 = vector.broadcast %parallel_loop3A_212 : f32 to vector<16xf32>
        %parallel_loop3A_214 = arith.addf %parallel_loop3A_213, %parallel_loop3A_211 : vector<16xf32>
        %parallel_loop3A_215 = arith.divf %parallel_loop3A_182, %parallel_loop3A_214 : vector<16xf32>
        %parallel_loop3A_216 = arith.index_cast %parallel_loop3A_114 : i32 to index
        %parallel_loop3A_217 = arith.constant 32 : index
        %parallel_loop3A_218 = tpu.vector_load %arg14[%parallel_loop3A_216, %parallel_loop3A_217] {strides = array<i32>} : memref<80x128xf32, #tpu.memory_space<vmem>>, vector<1x16xf32>,
        %parallel_loop3A_219 = vector.shape_cast %parallel_loop3A_218 : vector<1x16xf32> to vector<16xf32>
        %parallel_loop3A_220 = vector.shape_cast %parallel_loop3A_215 : vector<16xf32> to vector<1x16xf32>
        tpu.vector_store %arg14[%parallel_loop3A_216, %parallel_loop3A_217], %parallel_loop3A_220 {strides = array<i32>} : memref<80x128xf32, #tpu.memory_space<vmem>>, vector<1x16xf32>,
        %parallel_loop3A_221 = arith.addf %parallel_loop3A_206, %parallel_loop3A_198 : vector<16xf32>
        %parallel_loop3A_222 = arith.constant 0.000000e+00 : f32
        %parallel_loop3A_223 = vector.broadcast %parallel_loop3A_222 : f32 to vector<16xf32>
        %parallel_loop3A_224 = arith.subf %parallel_loop3A_223, %parallel_loop3A_221 : vector<16xf32>
        %parallel_loop3A_225 = math.exp %parallel_loop3A_224 : vector<16xf32>
        %parallel_loop3A_226 = arith.constant 1.000000e+00 : f32
        %parallel_loop3A_227 = vector.broadcast %parallel_loop3A_226 : f32 to vector<16xf32>
        %parallel_loop3A_228 = arith.addf %parallel_loop3A_227, %parallel_loop3A_225 : vector<16xf32>
        %parallel_loop3A_229 = arith.divf %parallel_loop3A_186, %parallel_loop3A_228 : vector<16xf32>
        %parallel_loop3A_230 = arith.index_cast %parallel_loop3A_114 : i32 to index
        %parallel_loop3A_231 = arith.constant 48 : index
        %parallel_loop3A_232 = tpu.vector_load %arg14[%parallel_loop3A_230, %parallel_loop3A_231] {strides = array<i32>} : memref<80x128xf32, #tpu.memory_space<vmem>>, vector<1x16xf32>,
        %parallel_loop3A_233 = vector.shape_cast %parallel_loop3A_232 : vector<1x16xf32> to vector<16xf32>
        %parallel_loop3A_234 = vector.shape_cast %parallel_loop3A_229 : vector<16xf32> to vector<1x16xf32>
        tpu.vector_store %arg14[%parallel_loop3A_230, %parallel_loop3A_231], %parallel_loop3A_234 {strides = array<i32>} : memref<80x128xf32, #tpu.memory_space<vmem>>, vector<1x16xf32>,
        %parallel_loop3A_235 = arith.index_cast %parallel_loop3A_114 : i32 to index
        %parallel_loop3A_236 = arith.constant 32 : index
        %parallel_loop3A_237 = tpu.vector_load %arg10[%parallel_loop3A_235, %parallel_loop3A_236] {strides = array<i32>} : memref<80x128xi32, #tpu.memory_space<vmem>>, vector<1x16xi32>,
        %parallel_loop3A_238 = vector.shape_cast %parallel_loop3A_237 : vector<1x16xi32> to vector<16xi32>
        %parallel_loop3A_239 = arith.constant 16 : i32
        %parallel_loop3A_240 = vector.broadcast %parallel_loop3A_239 : i32 to vector<16xi32>
        %parallel_loop3A_241 = arith.shli %parallel_loop3A_238, %parallel_loop3A_240 : vector<16xi32>
        %parallel_loop3A_242 = tpu.bitcast %parallel_loop3A_241 : vector<16xi32> -> vector<16xf32>
        %parallel_loop3A_243 = arith.constant -65536 : i32
        %parallel_loop3A_244 = vector.broadcast %parallel_loop3A_243 : i32 to vector<16xi32>
        %parallel_loop3A_245 = arith.andi %parallel_loop3A_238, %parallel_loop3A_244 : vector<16xi32>
        %parallel_loop3A_246 = tpu.bitcast %parallel_loop3A_245 : vector<16xi32> -> vector<16xf32>
        %parallel_loop3A_247 = arith.index_cast %parallel_loop3A_114 : i32 to index
        %parallel_loop3A_248 = arith.constant 96 : index
        %parallel_loop3A_249 = tpu.vector_load %arg10[%parallel_loop3A_247, %parallel_loop3A_248] {strides = array<i32>} : memref<80x128xi32, #tpu.memory_space<vmem>>, vector<1x16xi32>,
        %parallel_loop3A_250 = vector.shape_cast %parallel_loop3A_249 : vector<1x16xi32> to vector<16xi32>
        %parallel_loop3A_251 = arith.constant 16 : i32
        %parallel_loop3A_252 = vector.broadcast %parallel_loop3A_251 : i32 to vector<16xi32>
        %parallel_loop3A_253 = arith.shli %parallel_loop3A_250, %parallel_loop3A_252 : vector<16xi32>
        %parallel_loop3A_254 = tpu.bitcast %parallel_loop3A_253 : vector<16xi32> -> vector<16xf32>
        %parallel_loop3A_255 = arith.constant -65536 : i32
        %parallel_loop3A_256 = vector.broadcast %parallel_loop3A_255 : i32 to vector<16xi32>
        %parallel_loop3A_257 = arith.andi %parallel_loop3A_250, %parallel_loop3A_256 : vector<16xi32>
        %parallel_loop3A_258 = tpu.bitcast %parallel_loop3A_257 : vector<16xi32> -> vector<16xf32>
        %parallel_loop3A_259 = arith.index_cast %parallel_loop3A_114 : i32 to index
        %parallel_loop3A_260 = arith.constant 64 : index
        %parallel_loop3A_261 = tpu.vector_load %arg12[%parallel_loop3A_259, %parallel_loop3A_260] {strides = array<i32>} : memref<80x128xf32, #tpu.memory_space<vmem>>, vector<1x16xf32>,
        %parallel_loop3A_262 = vector.shape_cast %parallel_loop3A_261 : vector<1x16xf32> to vector<16xf32>
        %parallel_loop3A_263 = arith.index_cast %parallel_loop3A_114 : i32 to index
        %parallel_loop3A_264 = arith.constant 80 : index
        %parallel_loop3A_265 = tpu.vector_load %arg12[%parallel_loop3A_263, %parallel_loop3A_264] {strides = array<i32>} : memref<80x128xf32, #tpu.memory_space<vmem>>, vector<1x16xf32>,
        %parallel_loop3A_266 = vector.shape_cast %parallel_loop3A_265 : vector<1x16xf32> to vector<16xf32>
        %parallel_loop3A_267 = arith.addf %parallel_loop3A_262, %parallel_loop3A_254 : vector<16xf32>
        %parallel_loop3A_268 = arith.constant 0.000000e+00 : f32
        %parallel_loop3A_269 = vector.broadcast %parallel_loop3A_268 : f32 to vector<16xf32>
        %parallel_loop3A_270 = arith.subf %parallel_loop3A_269, %parallel_loop3A_267 : vector<16xf32>
        %parallel_loop3A_271 = math.exp %parallel_loop3A_270 : vector<16xf32>
        %parallel_loop3A_272 = arith.constant 1.000000e+00 : f32
        %parallel_loop3A_273 = vector.broadcast %parallel_loop3A_272 : f32 to vector<16xf32>
        %parallel_loop3A_274 = arith.addf %parallel_loop3A_273, %parallel_loop3A_271 : vector<16xf32>
        %parallel_loop3A_275 = arith.divf %parallel_loop3A_242, %parallel_loop3A_274 : vector<16xf32>
        %parallel_loop3A_276 = arith.index_cast %parallel_loop3A_114 : i32 to index
        %parallel_loop3A_277 = arith.constant 64 : index
        %parallel_loop3A_278 = tpu.vector_load %arg14[%parallel_loop3A_276, %parallel_loop3A_277] {strides = array<i32>} : memref<80x128xf32, #tpu.memory_space<vmem>>, vector<1x16xf32>,
        %parallel_loop3A_279 = vector.shape_cast %parallel_loop3A_278 : vector<1x16xf32> to vector<16xf32>
        %parallel_loop3A_280 = vector.shape_cast %parallel_loop3A_275 : vector<16xf32> to vector<1x16xf32>
        tpu.vector_store %arg14[%parallel_loop3A_276, %parallel_loop3A_277], %parallel_loop3A_280 {strides = array<i32>} : memref<80x128xf32, #tpu.memory_space<vmem>>, vector<1x16xf32>,
        %parallel_loop3A_281 = arith.addf %parallel_loop3A_266, %parallel_loop3A_258 : vector<16xf32>
        %parallel_loop3A_282 = arith.constant 0.000000e+00 : f32
        %parallel_loop3A_283 = vector.broadcast %parallel_loop3A_282 : f32 to vector<16xf32>
        %parallel_loop3A_284 = arith.subf %parallel_loop3A_283, %parallel_loop3A_281 : vector<16xf32>
        %parallel_loop3A_285 = math.exp %parallel_loop3A_284 : vector<16xf32>
        %parallel_loop3A_286 = arith.constant 1.000000e+00 : f32
        %parallel_loop3A_287 = vector.broadcast %parallel_loop3A_286 : f32 to vector<16xf32>
        %parallel_loop3A_288 = arith.addf %parallel_loop3A_287, %parallel_loop3A_285 : vector<16xf32>
        %parallel_loop3A_289 = arith.divf %parallel_loop3A_246, %parallel_loop3A_288 : vector<16xf32>
        %parallel_loop3A_290 = arith.index_cast %parallel_loop3A_114 : i32 to index
        %parallel_loop3A_291 = arith.constant 80 : index
        %parallel_loop3A_292 = tpu.vector_load %arg14[%parallel_loop3A_290, %parallel_loop3A_291] {strides = array<i32>} : memref<80x128xf32, #tpu.memory_space<vmem>>, vector<1x16xf32>,
        %parallel_loop3A_293 = vector.shape_cast %parallel_loop3A_292 : vector<1x16xf32> to vector<16xf32>
        %parallel_loop3A_294 = vector.shape_cast %parallel_loop3A_289 : vector<16xf32> to vector<1x16xf32>
        tpu.vector_store %arg14[%parallel_loop3A_290, %parallel_loop3A_291], %parallel_loop3A_294 {strides = array<i32>} : memref<80x128xf32, #tpu.memory_space<vmem>>, vector<1x16xf32>,
        %parallel_loop3A_295 = arith.index_cast %parallel_loop3A_114 : i32 to index
        %parallel_loop3A_296 = arith.constant 48 : index
        %parallel_loop3A_297 = tpu.vector_load %arg10[%parallel_loop3A_295, %parallel_loop3A_296] {strides = array<i32>} : memref<80x128xi32, #tpu.memory_space<vmem>>, vector<1x16xi32>,
        %parallel_loop3A_298 = vector.shape_cast %parallel_loop3A_297 : vector<1x16xi32> to vector<16xi32>
        %parallel_loop3A_299 = arith.constant 16 : i32
        %parallel_loop3A_300 = vector.broadcast %parallel_loop3A_299 : i32 to vector<16xi32>
        %parallel_loop3A_301 = arith.shli %parallel_loop3A_298, %parallel_loop3A_300 : vector<16xi32>
        %parallel_loop3A_302 = tpu.bitcast %parallel_loop3A_301 : vector<16xi32> -> vector<16xf32>
        %parallel_loop3A_303 = arith.constant -65536 : i32
        %parallel_loop3A_304 = vector.broadcast %parallel_loop3A_303 : i32 to vector<16xi32>
        %parallel_loop3A_305 = arith.andi %parallel_loop3A_298, %parallel_loop3A_304 : vector<16xi32>
        %parallel_loop3A_306 = tpu.bitcast %parallel_loop3A_305 : vector<16xi32> -> vector<16xf32>
        %parallel_loop3A_307 = arith.index_cast %parallel_loop3A_114 : i32 to index
        %parallel_loop3A_308 = arith.constant 112 : index
        %parallel_loop3A_309 = tpu.vector_load %arg10[%parallel_loop3A_307, %parallel_loop3A_308] {strides = array<i32>} : memref<80x128xi32, #tpu.memory_space<vmem>>, vector<1x16xi32>,
        %parallel_loop3A_310 = vector.shape_cast %parallel_loop3A_309 : vector<1x16xi32> to vector<16xi32>
        %parallel_loop3A_311 = arith.constant 16 : i32
        %parallel_loop3A_312 = vector.broadcast %parallel_loop3A_311 : i32 to vector<16xi32>
        %parallel_loop3A_313 = arith.shli %parallel_loop3A_310, %parallel_loop3A_312 : vector<16xi32>
        %parallel_loop3A_314 = tpu.bitcast %parallel_loop3A_313 : vector<16xi32> -> vector<16xf32>
        %parallel_loop3A_315 = arith.constant -65536 : i32
        %parallel_loop3A_316 = vector.broadcast %parallel_loop3A_315 : i32 to vector<16xi32>
        %parallel_loop3A_317 = arith.andi %parallel_loop3A_310, %parallel_loop3A_316 : vector<16xi32>
        %parallel_loop3A_318 = tpu.bitcast %parallel_loop3A_317 : vector<16xi32> -> vector<16xf32>
        %parallel_loop3A_319 = arith.index_cast %parallel_loop3A_114 : i32 to index
        %parallel_loop3A_320 = arith.constant 96 : index
        %parallel_loop3A_321 = tpu.vector_load %arg12[%parallel_loop3A_319, %parallel_loop3A_320] {strides = array<i32>} : memref<80x128xf32, #tpu.memory_space<vmem>>, vector<1x16xf32>,
        %parallel_loop3A_322 = vector.shape_cast %parallel_loop3A_321 : vector<1x16xf32> to vector<16xf32>
        %parallel_loop3A_323 = arith.index_cast %parallel_loop3A_114 : i32 to index
        %parallel_loop3A_324 = arith.constant 112 : index
        %parallel_loop3A_325 = tpu.vector_load %arg12[%parallel_loop3A_323, %parallel_loop3A_324] {strides = array<i32>} : memref<80x128xf32, #tpu.memory_space<vmem>>, vector<1x16xf32>,
        %parallel_loop3A_326 = vector.shape_cast %parallel_loop3A_325 : vector<1x16xf32> to vector<16xf32>
        %parallel_loop3A_327 = arith.addf %parallel_loop3A_322, %parallel_loop3A_314 : vector<16xf32>
        %parallel_loop3A_328 = arith.constant 0.000000e+00 : f32
        %parallel_loop3A_329 = vector.broadcast %parallel_loop3A_328 : f32 to vector<16xf32>
        %parallel_loop3A_330 = arith.subf %parallel_loop3A_329, %parallel_loop3A_327 : vector<16xf32>
        %parallel_loop3A_331 = math.exp %parallel_loop3A_330 : vector<16xf32>
        %parallel_loop3A_332 = arith.constant 1.000000e+00 : f32
        %parallel_loop3A_333 = vector.broadcast %parallel_loop3A_332 : f32 to vector<16xf32>
        %parallel_loop3A_334 = arith.addf %parallel_loop3A_333, %parallel_loop3A_331 : vector<16xf32>
        %parallel_loop3A_335 = arith.divf %parallel_loop3A_302, %parallel_loop3A_334 : vector<16xf32>
        %parallel_loop3A_336 = arith.index_cast %parallel_loop3A_114 : i32 to index
        %parallel_loop3A_337 = arith.constant 96 : index
        %parallel_loop3A_338 = tpu.vector_load %arg14[%parallel_loop3A_336, %parallel_loop3A_337] {strides = array<i32>} : memref<80x128xf32, #tpu.memory_space<vmem>>, vector<1x16xf32>,
        %parallel_loop3A_339 = vector.shape_cast %parallel_loop3A_338 : vector<1x16xf32> to vector<16xf32>
        %parallel_loop3A_340 = vector.shape_cast %parallel_loop3A_335 : vector<16xf32> to vector<1x16xf32>
        tpu.vector_store %arg14[%parallel_loop3A_336, %parallel_loop3A_337], %parallel_loop3A_340 {strides = array<i32>} : memref<80x128xf32, #tpu.memory_space<vmem>>, vector<1x16xf32>,
        %parallel_loop3A_341 = arith.addf %parallel_loop3A_326, %parallel_loop3A_318 : vector<16xf32>
        %parallel_loop3A_342 = arith.constant 0.000000e+00 : f32
        %parallel_loop3A_343 = vector.broadcast %parallel_loop3A_342 : f32 to vector<16xf32>
        %parallel_loop3A_344 = arith.subf %parallel_loop3A_343, %parallel_loop3A_341 : vector<16xf32>
        %parallel_loop3A_345 = math.exp %parallel_loop3A_344 : vector<16xf32>
        %parallel_loop3A_346 = arith.constant 1.000000e+00 : f32
        %parallel_loop3A_347 = vector.broadcast %parallel_loop3A_346 : f32 to vector<16xf32>
        %parallel_loop3A_348 = arith.addf %parallel_loop3A_347, %parallel_loop3A_345 : vector<16xf32>
        %parallel_loop3A_349 = arith.divf %parallel_loop3A_306, %parallel_loop3A_348 : vector<16xf32>
        %parallel_loop3A_350 = arith.index_cast %parallel_loop3A_114 : i32 to index
        %parallel_loop3A_351 = arith.constant 112 : index
        %parallel_loop3A_352 = tpu.vector_load %arg14[%parallel_loop3A_350, %parallel_loop3A_351] {strides = array<i32>} : memref<80x128xf32, #tpu.memory_space<vmem>>, vector<1x16xf32>,
        %parallel_loop3A_353 = vector.shape_cast %parallel_loop3A_352 : vector<1x16xf32> to vector<16xf32>
        %parallel_loop3A_354 = vector.shape_cast %parallel_loop3A_349 : vector<16xf32> to vector<1x16xf32>
        tpu.vector_store %arg14[%parallel_loop3A_350, %parallel_loop3A_351], %parallel_loop3A_354 {strides = array<i32>} : memref<80x128xf32, #tpu.memory_space<vmem>>, vector<1x16xf32>,
      } {sc.loop_unroll_factor = 1 : i64, sc.parallel_access}
      %add3A_107 = arith.constant 80 : i32
      %add3A_108 = arith.addi %mul3A_50, %add3A_107 : i32
      %add3A_109 = arith.addi %mul3A_2, %add3A_108 : i32
      %dma_start3A_110 = arith.constant 0 : i32
      %dma_start3A_111 = tpu.memref_slice %arg6[%add3A_109, %dma_start3A_110] : memref<320000x128xf32, #tpu.memory_space<hbm>> -> memref<80x128xf32, #tpu.memory_space<hbm>>
      %dma_start3A_112 = arith.constant 0 : i32
      %dma_start3A_113 = tpu.memref_slice %arg6[%add3A_109, %dma_start3A_112] : memref<320000x128xf32, #tpu.memory_space<hbm>> -> memref<80x128xf32, #tpu.memory_space<hbm>>
      tpu.enqueue_dma source(%arg14 : memref<80x128xf32, #tpu.memory_space<vmem>>) target(%dma_start3A_113 : memref<80x128xf32, #tpu.memory_space<hbm>>) target_semaphore(%arg20 : memref<!tpu.dma_semaphore, #tpu.memory_space<semaphore_mem>>)
    }
    %scan3A_16 = arith.constant 62 : i32
    %dma_wait3A = arith.constant 9920 : i32
    %dma_wait3A_17 = tpu.memref_slice %arg7[%dma_wait3A] : memref<10000xi32, #tpu.memory_space<vmem>> -> memref<80xi32, #tpu.memory_space<vmem>>
    %dma_wait3A_18 = arith.constant 0 : i32
    %dma_wait3A_19 = arith.constant 0 : i32
    %dma_wait3A_20 = tpu.memref_slice %arg2[%dma_wait3A_18, %dma_wait3A_19] : memref<10000x128xi32, #tpu.memory_space<hbm>> -> memref<10000x128xi32, #tpu.memory_space<hbm>>
    tpu.wait_indirect_dma semaphore(%arg15 : memref<!tpu.dma_semaphore, #tpu.memory_space<semaphore_mem>>) src(%dma_wait3A_20 : memref<10000x128xi32, #tpu.memory_space<hbm>>) dst(%arg9 : memref<80x128xi32, #tpu.memory_space<vmem>>)
    %dma_wait3A_21 = arith.constant 9920 : i32
    %dma_wait3A_22 = tpu.memref_slice %arg8[%dma_wait3A_21] : memref<10000xi32, #tpu.memory_space<vmem>> -> memref<80xi32, #tpu.memory_space<vmem>>
    %dma_wait3A_23 = arith.constant 0 : i32
    %dma_wait3A_24 = arith.constant 0 : i32
    %dma_wait3A_25 = tpu.memref_slice %arg3[%dma_wait3A_23, %dma_wait3A_24] : memref<10000x128xf32, #tpu.memory_space<hbm>> -> memref<10000x128xf32, #tpu.memory_space<hbm>>
    tpu.wait_indirect_dma semaphore(%arg17 : memref<!tpu.dma_semaphore, #tpu.memory_space<semaphore_mem>>) src(%dma_wait3A_25 : memref<10000x128xf32, #tpu.memory_space<hbm>>) dst(%arg11 : memref<80x128xf32, #tpu.memory_space<vmem>>)
    %dma_wait3A_26 = arith.constant 0 : i32
    %dma_wait3A_27 = tpu.memref_slice %arg6[%mul3A_2, %dma_wait3A_26] : memref<320000x128xf32, #tpu.memory_space<hbm>> -> memref<80x128xf32, #tpu.memory_space<hbm>>
    %dma_wait3A_28 = arith.constant 0 : i32
    %dma_wait3A_29 = tpu.memref_slice %arg6[%mul3A_2, %dma_wait3A_28] : memref<320000x128xf32, #tpu.memory_space<hbm>> -> memref<80x128xf32, #tpu.memory_space<hbm>>
    tpu.wait_dma2 semaphore(%arg19 : memref<!tpu.dma_semaphore, #tpu.memory_space<semaphore_mem>>) src(%arg13 : memref<80x128xf32, #tpu.memory_space<vmem>>) dst(%dma_wait3A_29 : memref<80x128xf32, #tpu.memory_space<hbm>>)
    %parallel_loop3A = arith.constant 0 : i32
    %parallel_loop3A_30 = arith.constant 80 : i32
    %parallel_loop3A_31 = arith.constant 1 : i32
    scf.for %parallel_loop3A_46 = %parallel_loop3A to %parallel_loop3A_30 step %parallel_loop3A_31  : i32 {
      %parallel_loop3A_47 = arith.index_cast %parallel_loop3A_46 : i32 to index
      %parallel_loop3A_48 = arith.constant 0 : index
      %parallel_loop3A_49 = tpu.vector_load %arg9[%parallel_loop3A_47, %parallel_loop3A_48] {strides = array<i32>} : memref<80x128xi32, #tpu.memory_space<vmem>>, vector<1x16xi32>,
      %parallel_loop3A_50 = vector.shape_cast %parallel_loop3A_49 : vector<1x16xi32> to vector<16xi32>
      %parallel_loop3A_51 = arith.constant 16 : i32
      %parallel_loop3A_52 = vector.broadcast %parallel_loop3A_51 : i32 to vector<16xi32>
      %parallel_loop3A_53 = arith.shli %parallel_loop3A_50, %parallel_loop3A_52 : vector<16xi32>
      %parallel_loop3A_54 = tpu.bitcast %parallel_loop3A_53 : vector<16xi32> -> vector<16xf32>
      %parallel_loop3A_55 = arith.constant -65536 : i32
      %parallel_loop3A_56 = vector.broadcast %parallel_loop3A_55 : i32 to vector<16xi32>
      %parallel_loop3A_57 = arith.andi %parallel_loop3A_50, %parallel_loop3A_56 : vector<16xi32>
      %parallel_loop3A_58 = tpu.bitcast %parallel_loop3A_57 : vector<16xi32> -> vector<16xf32>
      %parallel_loop3A_59 = arith.index_cast %parallel_loop3A_46 : i32 to index
      %parallel_loop3A_60 = arith.constant 64 : index
      %parallel_loop3A_61 = tpu.vector_load %arg9[%parallel_loop3A_59, %parallel_loop3A_60] {strides = array<i32>} : memref<80x128xi32, #tpu.memory_space<vmem>>, vector<1x16xi32>,
      %parallel_loop3A_62 = vector.shape_cast %parallel_loop3A_61 : vector<1x16xi32> to vector<16xi32>
      %parallel_loop3A_63 = arith.constant 16 : i32
      %parallel_loop3A_64 = vector.broadcast %parallel_loop3A_63 : i32 to vector<16xi32>
      %parallel_loop3A_65 = arith.shli %parallel_loop3A_62, %parallel_loop3A_64 : vector<16xi32>
      %parallel_loop3A_66 = tpu.bitcast %parallel_loop3A_65 : vector<16xi32> -> vector<16xf32>
      %parallel_loop3A_67 = arith.constant -65536 : i32
      %parallel_loop3A_68 = vector.broadcast %parallel_loop3A_67 : i32 to vector<16xi32>
      %parallel_loop3A_69 = arith.andi %parallel_loop3A_62, %parallel_loop3A_68 : vector<16xi32>
      %parallel_loop3A_70 = tpu.bitcast %parallel_loop3A_69 : vector<16xi32> -> vector<16xf32>
      %parallel_loop3A_71 = arith.index_cast %parallel_loop3A_46 : i32 to index
      %parallel_loop3A_72 = arith.constant 0 : index
      %parallel_loop3A_73 = tpu.vector_load %arg11[%parallel_loop3A_71, %parallel_loop3A_72] {strides = array<i32>} : memref<80x128xf32, #tpu.memory_space<vmem>>, vector<1x16xf32>,
      %parallel_loop3A_74 = vector.shape_cast %parallel_loop3A_73 : vector<1x16xf32> to vector<16xf32>
      %parallel_loop3A_75 = arith.index_cast %parallel_loop3A_46 : i32 to index
      %parallel_loop3A_76 = arith.constant 16 : index
      %parallel_loop3A_77 = tpu.vector_load %arg11[%parallel_loop3A_75, %parallel_loop3A_76] {strides = array<i32>} : memref<80x128xf32, #tpu.memory_space<vmem>>, vector<1x16xf32>,
      %parallel_loop3A_78 = vector.shape_cast %parallel_loop3A_77 : vector<1x16xf32> to vector<16xf32>
      %parallel_loop3A_79 = arith.addf %parallel_loop3A_74, %parallel_loop3A_66 : vector<16xf32>
      %parallel_loop3A_80 = arith.constant 0.000000e+00 : f32
      %parallel_loop3A_81 = vector.broadcast %parallel_loop3A_80 : f32 to vector<16xf32>
      %parallel_loop3A_82 = arith.subf %parallel_loop3A_81, %parallel_loop3A_79 : vector<16xf32>
      %parallel_loop3A_83 = math.exp %parallel_loop3A_82 : vector<16xf32>
      %parallel_loop3A_84 = arith.constant 1.000000e+00 : f32
      %parallel_loop3A_85 = vector.broadcast %parallel_loop3A_84 : f32 to vector<16xf32>
      %parallel_loop3A_86 = arith.addf %parallel_loop3A_85, %parallel_loop3A_83 : vector<16xf32>
      %parallel_loop3A_87 = arith.divf %parallel_loop3A_54, %parallel_loop3A_86 : vector<16xf32>
      %parallel_loop3A_88 = arith.index_cast %parallel_loop3A_46 : i32 to index
      %parallel_loop3A_89 = arith.constant 0 : index
      %parallel_loop3A_90 = tpu.vector_load %arg13[%parallel_loop3A_88, %parallel_loop3A_89] {strides = array<i32>} : memref<80x128xf32, #tpu.memory_space<vmem>>, vector<1x16xf32>,
      %parallel_loop3A_91 = vector.shape_cast %parallel_loop3A_90 : vector<1x16xf32> to vector<16xf32>
      %parallel_loop3A_92 = vector.shape_cast %parallel_loop3A_87 : vector<16xf32> to vector<1x16xf32>
      tpu.vector_store %arg13[%parallel_loop3A_88, %parallel_loop3A_89], %parallel_loop3A_92 {strides = array<i32>} : memref<80x128xf32, #tpu.memory_space<vmem>>, vector<1x16xf32>,
      %parallel_loop3A_93 = arith.addf %parallel_loop3A_78, %parallel_loop3A_70 : vector<16xf32>
      %parallel_loop3A_94 = arith.constant 0.000000e+00 : f32
      %parallel_loop3A_95 = vector.broadcast %parallel_loop3A_94 : f32 to vector<16xf32>
      %parallel_loop3A_96 = arith.subf %parallel_loop3A_95, %parallel_loop3A_93 : vector<16xf32>
      %parallel_loop3A_97 = math.exp %parallel_loop3A_96 : vector<16xf32>
      %parallel_loop3A_98 = arith.constant 1.000000e+00 : f32
      %parallel_loop3A_99 = vector.broadcast %parallel_loop3A_98 : f32 to vector<16xf32>
      %parallel_loop3A_100 = arith.addf %parallel_loop3A_99, %parallel_loop3A_97 : vector<16xf32>
      %parallel_loop3A_101 = arith.divf %parallel_loop3A_58, %parallel_loop3A_100 : vector<16xf32>
      %parallel_loop3A_102 = arith.index_cast %parallel_loop3A_46 : i32 to index
      %parallel_loop3A_103 = arith.constant 16 : index
      %parallel_loop3A_104 = tpu.vector_load %arg13[%parallel_loop3A_102, %parallel_loop3A_103] {strides = array<i32>} : memref<80x128xf32, #tpu.memory_space<vmem>>, vector<1x16xf32>,
      %parallel_loop3A_105 = vector.shape_cast %parallel_loop3A_104 : vector<1x16xf32> to vector<16xf32>
      %parallel_loop3A_106 = vector.shape_cast %parallel_loop3A_101 : vector<16xf32> to vector<1x16xf32>
      tpu.vector_store %arg13[%parallel_loop3A_102, %parallel_loop3A_103], %parallel_loop3A_106 {strides = array<i32>} : memref<80x128xf32, #tpu.memory_space<vmem>>, vector<1x16xf32>,
      %parallel_loop3A_107 = arith.index_cast %parallel_loop3A_46 : i32 to index
      %parallel_loop3A_108 = arith.constant 16 : index
      %parallel_loop3A_109 = tpu.vector_load %arg9[%parallel_loop3A_107, %parallel_loop3A_108] {strides = array<i32>} : memref<80x128xi32, #tpu.memory_space<vmem>>, vector<1x16xi32>,
      %parallel_loop3A_110 = vector.shape_cast %parallel_loop3A_109 : vector<1x16xi32> to vector<16xi32>
      %parallel_loop3A_111 = arith.constant 16 : i32
      %parallel_loop3A_112 = vector.broadcast %parallel_loop3A_111 : i32 to vector<16xi32>
      %parallel_loop3A_113 = arith.shli %parallel_loop3A_110, %parallel_loop3A_112 : vector<16xi32>
      %parallel_loop3A_114 = tpu.bitcast %parallel_loop3A_113 : vector<16xi32> -> vector<16xf32>
      %parallel_loop3A_115 = arith.constant -65536 : i32
      %parallel_loop3A_116 = vector.broadcast %parallel_loop3A_115 : i32 to vector<16xi32>
      %parallel_loop3A_117 = arith.andi %parallel_loop3A_110, %parallel_loop3A_116 : vector<16xi32>
      %parallel_loop3A_118 = tpu.bitcast %parallel_loop3A_117 : vector<16xi32> -> vector<16xf32>
      %parallel_loop3A_119 = arith.index_cast %parallel_loop3A_46 : i32 to index
      %parallel_loop3A_120 = arith.constant 80 : index
      %parallel_loop3A_121 = tpu.vector_load %arg9[%parallel_loop3A_119, %parallel_loop3A_120] {strides = array<i32>} : memref<80x128xi32, #tpu.memory_space<vmem>>, vector<1x16xi32>,
      %parallel_loop3A_122 = vector.shape_cast %parallel_loop3A_121 : vector<1x16xi32> to vector<16xi32>
      %parallel_loop3A_123 = arith.constant 16 : i32
      %parallel_loop3A_124 = vector.broadcast %parallel_loop3A_123 : i32 to vector<16xi32>
      %parallel_loop3A_125 = arith.shli %parallel_loop3A_122, %parallel_loop3A_124 : vector<16xi32>
      %parallel_loop3A_126 = tpu.bitcast %parallel_loop3A_125 : vector<16xi32> -> vector<16xf32>
      %parallel_loop3A_127 = arith.constant -65536 : i32
      %parallel_loop3A_128 = vector.broadcast %parallel_loop3A_127 : i32 to vector<16xi32>
      %parallel_loop3A_129 = arith.andi %parallel_loop3A_122, %parallel_loop3A_128 : vector<16xi32>
      %parallel_loop3A_130 = tpu.bitcast %parallel_loop3A_129 : vector<16xi32> -> vector<16xf32>
      %parallel_loop3A_131 = arith.index_cast %parallel_loop3A_46 : i32 to index
      %parallel_loop3A_132 = arith.constant 32 : index
      %parallel_loop3A_133 = tpu.vector_load %arg11[%parallel_loop3A_131, %parallel_loop3A_132] {strides = array<i32>} : memref<80x128xf32, #tpu.memory_space<vmem>>, vector<1x16xf32>,
      %parallel_loop3A_134 = vector.shape_cast %parallel_loop3A_133 : vector<1x16xf32> to vector<16xf32>
      %parallel_loop3A_135 = arith.index_cast %parallel_loop3A_46 : i32 to index
      %parallel_loop3A_136 = arith.constant 48 : index
      %parallel_loop3A_137 = tpu.vector_load %arg11[%parallel_loop3A_135, %parallel_loop3A_136] {strides = array<i32>} : memref<80x128xf32, #tpu.memory_space<vmem>>, vector<1x16xf32>,
      %parallel_loop3A_138 = vector.shape_cast %parallel_loop3A_137 : vector<1x16xf32> to vector<16xf32>
      %parallel_loop3A_139 = arith.addf %parallel_loop3A_134, %parallel_loop3A_126 : vector<16xf32>
      %parallel_loop3A_140 = arith.constant 0.000000e+00 : f32
      %parallel_loop3A_141 = vector.broadcast %parallel_loop3A_140 : f32 to vector<16xf32>
      %parallel_loop3A_142 = arith.subf %parallel_loop3A_141, %parallel_loop3A_139 : vector<16xf32>
      %parallel_loop3A_143 = math.exp %parallel_loop3A_142 : vector<16xf32>
      %parallel_loop3A_144 = arith.constant 1.000000e+00 : f32
      %parallel_loop3A_145 = vector.broadcast %parallel_loop3A_144 : f32 to vector<16xf32>
      %parallel_loop3A_146 = arith.addf %parallel_loop3A_145, %parallel_loop3A_143 : vector<16xf32>
      %parallel_loop3A_147 = arith.divf %parallel_loop3A_114, %parallel_loop3A_146 : vector<16xf32>
      %parallel_loop3A_148 = arith.index_cast %parallel_loop3A_46 : i32 to index
      %parallel_loop3A_149 = arith.constant 32 : index
      %parallel_loop3A_150 = tpu.vector_load %arg13[%parallel_loop3A_148, %parallel_loop3A_149] {strides = array<i32>} : memref<80x128xf32, #tpu.memory_space<vmem>>, vector<1x16xf32>,
      %parallel_loop3A_151 = vector.shape_cast %parallel_loop3A_150 : vector<1x16xf32> to vector<16xf32>
      %parallel_loop3A_152 = vector.shape_cast %parallel_loop3A_147 : vector<16xf32> to vector<1x16xf32>
      tpu.vector_store %arg13[%parallel_loop3A_148, %parallel_loop3A_149], %parallel_loop3A_152 {strides = array<i32>} : memref<80x128xf32, #tpu.memory_space<vmem>>, vector<1x16xf32>,
      %parallel_loop3A_153 = arith.addf %parallel_loop3A_138, %parallel_loop3A_130 : vector<16xf32>
      %parallel_loop3A_154 = arith.constant 0.000000e+00 : f32
      %parallel_loop3A_155 = vector.broadcast %parallel_loop3A_154 : f32 to vector<16xf32>
      %parallel_loop3A_156 = arith.subf %parallel_loop3A_155, %parallel_loop3A_153 : vector<16xf32>
      %parallel_loop3A_157 = math.exp %parallel_loop3A_156 : vector<16xf32>
      %parallel_loop3A_158 = arith.constant 1.000000e+00 : f32
      %parallel_loop3A_159 = vector.broadcast %parallel_loop3A_158 : f32 to vector<16xf32>
      %parallel_loop3A_160 = arith.addf %parallel_loop3A_159, %parallel_loop3A_157 : vector<16xf32>
      %parallel_loop3A_161 = arith.divf %parallel_loop3A_118, %parallel_loop3A_160 : vector<16xf32>
      %parallel_loop3A_162 = arith.index_cast %parallel_loop3A_46 : i32 to index
      %parallel_loop3A_163 = arith.constant 48 : index
      %parallel_loop3A_164 = tpu.vector_load %arg13[%parallel_loop3A_162, %parallel_loop3A_163] {strides = array<i32>} : memref<80x128xf32, #tpu.memory_space<vmem>>, vector<1x16xf32>,
      %parallel_loop3A_165 = vector.shape_cast %parallel_loop3A_164 : vector<1x16xf32> to vector<16xf32>
      %parallel_loop3A_166 = vector.shape_cast %parallel_loop3A_161 : vector<16xf32> to vector<1x16xf32>
      tpu.vector_store %arg13[%parallel_loop3A_162, %parallel_loop3A_163], %parallel_loop3A_166 {strides = array<i32>} : memref<80x128xf32, #tpu.memory_space<vmem>>, vector<1x16xf32>,
      %parallel_loop3A_167 = arith.index_cast %parallel_loop3A_46 : i32 to index
      %parallel_loop3A_168 = arith.constant 32 : index
      %parallel_loop3A_169 = tpu.vector_load %arg9[%parallel_loop3A_167, %parallel_loop3A_168] {strides = array<i32>} : memref<80x128xi32, #tpu.memory_space<vmem>>, vector<1x16xi32>,
      %parallel_loop3A_170 = vector.shape_cast %parallel_loop3A_169 : vector<1x16xi32> to vector<16xi32>
      %parallel_loop3A_171 = arith.constant 16 : i32
      %parallel_loop3A_172 = vector.broadcast %parallel_loop3A_171 : i32 to vector<16xi32>
      %parallel_loop3A_173 = arith.shli %parallel_loop3A_170, %parallel_loop3A_172 : vector<16xi32>
      %parallel_loop3A_174 = tpu.bitcast %parallel_loop3A_173 : vector<16xi32> -> vector<16xf32>
      %parallel_loop3A_175 = arith.constant -65536 : i32
      %parallel_loop3A_176 = vector.broadcast %parallel_loop3A_175 : i32 to vector<16xi32>
      %parallel_loop3A_177 = arith.andi %parallel_loop3A_170, %parallel_loop3A_176 : vector<16xi32>
      %parallel_loop3A_178 = tpu.bitcast %parallel_loop3A_177 : vector<16xi32> -> vector<16xf32>
      %parallel_loop3A_179 = arith.index_cast %parallel_loop3A_46 : i32 to index
      %parallel_loop3A_180 = arith.constant 96 : index
      %parallel_loop3A_181 = tpu.vector_load %arg9[%parallel_loop3A_179, %parallel_loop3A_180] {strides = array<i32>} : memref<80x128xi32, #tpu.memory_space<vmem>>, vector<1x16xi32>,
      %parallel_loop3A_182 = vector.shape_cast %parallel_loop3A_181 : vector<1x16xi32> to vector<16xi32>
      %parallel_loop3A_183 = arith.constant 16 : i32
      %parallel_loop3A_184 = vector.broadcast %parallel_loop3A_183 : i32 to vector<16xi32>
      %parallel_loop3A_185 = arith.shli %parallel_loop3A_182, %parallel_loop3A_184 : vector<16xi32>
      %parallel_loop3A_186 = tpu.bitcast %parallel_loop3A_185 : vector<16xi32> -> vector<16xf32>
      %parallel_loop3A_187 = arith.constant -65536 : i32
      %parallel_loop3A_188 = vector.broadcast %parallel_loop3A_187 : i32 to vector<16xi32>
      %parallel_loop3A_189 = arith.andi %parallel_loop3A_182, %parallel_loop3A_188 : vector<16xi32>
      %parallel_loop3A_190 = tpu.bitcast %parallel_loop3A_189 : vector<16xi32> -> vector<16xf32>
      %parallel_loop3A_191 = arith.index_cast %parallel_loop3A_46 : i32 to index
      %parallel_loop3A_192 = arith.constant 64 : index
      %parallel_loop3A_193 = tpu.vector_load %arg11[%parallel_loop3A_191, %parallel_loop3A_192] {strides = array<i32>} : memref<80x128xf32, #tpu.memory_space<vmem>>, vector<1x16xf32>,
      %parallel_loop3A_194 = vector.shape_cast %parallel_loop3A_193 : vector<1x16xf32> to vector<16xf32>
      %parallel_loop3A_195 = arith.index_cast %parallel_loop3A_46 : i32 to index
      %parallel_loop3A_196 = arith.constant 80 : index
      %parallel_loop3A_197 = tpu.vector_load %arg11[%parallel_loop3A_195, %parallel_loop3A_196] {strides = array<i32>} : memref<80x128xf32, #tpu.memory_space<vmem>>, vector<1x16xf32>,
      %parallel_loop3A_198 = vector.shape_cast %parallel_loop3A_197 : vector<1x16xf32> to vector<16xf32>
      %parallel_loop3A_199 = arith.addf %parallel_loop3A_194, %parallel_loop3A_186 : vector<16xf32>
      %parallel_loop3A_200 = arith.constant 0.000000e+00 : f32
      %parallel_loop3A_201 = vector.broadcast %parallel_loop3A_200 : f32 to vector<16xf32>
      %parallel_loop3A_202 = arith.subf %parallel_loop3A_201, %parallel_loop3A_199 : vector<16xf32>
      %parallel_loop3A_203 = math.exp %parallel_loop3A_202 : vector<16xf32>
      %parallel_loop3A_204 = arith.constant 1.000000e+00 : f32
      %parallel_loop3A_205 = vector.broadcast %parallel_loop3A_204 : f32 to vector<16xf32>
      %parallel_loop3A_206 = arith.addf %parallel_loop3A_205, %parallel_loop3A_203 : vector<16xf32>
      %parallel_loop3A_207 = arith.divf %parallel_loop3A_174, %parallel_loop3A_206 : vector<16xf32>
      %parallel_loop3A_208 = arith.index_cast %parallel_loop3A_46 : i32 to index
      %parallel_loop3A_209 = arith.constant 64 : index
      %parallel_loop3A_210 = tpu.vector_load %arg13[%parallel_loop3A_208, %parallel_loop3A_209] {strides = array<i32>} : memref<80x128xf32, #tpu.memory_space<vmem>>, vector<1x16xf32>,
      %parallel_loop3A_211 = vector.shape_cast %parallel_loop3A_210 : vector<1x16xf32> to vector<16xf32>
      %parallel_loop3A_212 = vector.shape_cast %parallel_loop3A_207 : vector<16xf32> to vector<1x16xf32>
      tpu.vector_store %arg13[%parallel_loop3A_208, %parallel_loop3A_209], %parallel_loop3A_212 {strides = array<i32>} : memref<80x128xf32, #tpu.memory_space<vmem>>, vector<1x16xf32>,
      %parallel_loop3A_213 = arith.addf %parallel_loop3A_198, %parallel_loop3A_190 : vector<16xf32>
      %parallel_loop3A_214 = arith.constant 0.000000e+00 : f32
      %parallel_loop3A_215 = vector.broadcast %parallel_loop3A_214 : f32 to vector<16xf32>
      %parallel_loop3A_216 = arith.subf %parallel_loop3A_215, %parallel_loop3A_213 : vector<16xf32>
      %parallel_loop3A_217 = math.exp %parallel_loop3A_216 : vector<16xf32>
      %parallel_loop3A_218 = arith.constant 1.000000e+00 : f32
      %parallel_loop3A_219 = vector.broadcast %parallel_loop3A_218 : f32 to vector<16xf32>
      %parallel_loop3A_220 = arith.addf %parallel_loop3A_219, %parallel_loop3A_217 : vector<16xf32>
      %parallel_loop3A_221 = arith.divf %parallel_loop3A_178, %parallel_loop3A_220 : vector<16xf32>
      %parallel_loop3A_222 = arith.index_cast %parallel_loop3A_46 : i32 to index
      %parallel_loop3A_223 = arith.constant 80 : index
      %parallel_loop3A_224 = tpu.vector_load %arg13[%parallel_loop3A_222, %parallel_loop3A_223] {strides = array<i32>} : memref<80x128xf32, #tpu.memory_space<vmem>>, vector<1x16xf32>,
      %parallel_loop3A_225 = vector.shape_cast %parallel_loop3A_224 : vector<1x16xf32> to vector<16xf32>
      %parallel_loop3A_226 = vector.shape_cast %parallel_loop3A_221 : vector<16xf32> to vector<1x16xf32>
      tpu.vector_store %arg13[%parallel_loop3A_222, %parallel_loop3A_223], %parallel_loop3A_226 {strides = array<i32>} : memref<80x128xf32, #tpu.memory_space<vmem>>, vector<1x16xf32>,
      %parallel_loop3A_227 = arith.index_cast %parallel_loop3A_46 : i32 to index
      %parallel_loop3A_228 = arith.constant 48 : index
      %parallel_loop3A_229 = tpu.vector_load %arg9[%parallel_loop3A_227, %parallel_loop3A_228] {strides = array<i32>} : memref<80x128xi32, #tpu.memory_space<vmem>>, vector<1x16xi32>,
      %parallel_loop3A_230 = vector.shape_cast %parallel_loop3A_229 : vector<1x16xi32> to vector<16xi32>
      %parallel_loop3A_231 = arith.constant 16 : i32
      %parallel_loop3A_232 = vector.broadcast %parallel_loop3A_231 : i32 to vector<16xi32>
      %parallel_loop3A_233 = arith.shli %parallel_loop3A_230, %parallel_loop3A_232 : vector<16xi32>
      %parallel_loop3A_234 = tpu.bitcast %parallel_loop3A_233 : vector<16xi32> -> vector<16xf32>
      %parallel_loop3A_235 = arith.constant -65536 : i32
      %parallel_loop3A_236 = vector.broadcast %parallel_loop3A_235 : i32 to vector<16xi32>
      %parallel_loop3A_237 = arith.andi %parallel_loop3A_230, %parallel_loop3A_236 : vector<16xi32>
      %parallel_loop3A_238 = tpu.bitcast %parallel_loop3A_237 : vector<16xi32> -> vector<16xf32>
      %parallel_loop3A_239 = arith.index_cast %parallel_loop3A_46 : i32 to index
      %parallel_loop3A_240 = arith.constant 112 : index
      %parallel_loop3A_241 = tpu.vector_load %arg9[%parallel_loop3A_239, %parallel_loop3A_240] {strides = array<i32>} : memref<80x128xi32, #tpu.memory_space<vmem>>, vector<1x16xi32>,
      %parallel_loop3A_242 = vector.shape_cast %parallel_loop3A_241 : vector<1x16xi32> to vector<16xi32>
      %parallel_loop3A_243 = arith.constant 16 : i32
      %parallel_loop3A_244 = vector.broadcast %parallel_loop3A_243 : i32 to vector<16xi32>
      %parallel_loop3A_245 = arith.shli %parallel_loop3A_242, %parallel_loop3A_244 : vector<16xi32>
      %parallel_loop3A_246 = tpu.bitcast %parallel_loop3A_245 : vector<16xi32> -> vector<16xf32>
      %parallel_loop3A_247 = arith.constant -65536 : i32
      %parallel_loop3A_248 = vector.broadcast %parallel_loop3A_247 : i32 to vector<16xi32>
      %parallel_loop3A_249 = arith.andi %parallel_loop3A_242, %parallel_loop3A_248 : vector<16xi32>
      %parallel_loop3A_250 = tpu.bitcast %parallel_loop3A_249 : vector<16xi32> -> vector<16xf32>
      %parallel_loop3A_251 = arith.index_cast %parallel_loop3A_46 : i32 to index
      %parallel_loop3A_252 = arith.constant 96 : index
      %parallel_loop3A_253 = tpu.vector_load %arg11[%parallel_loop3A_251, %parallel_loop3A_252] {strides = array<i32>} : memref<80x128xf32, #tpu.memory_space<vmem>>, vector<1x16xf32>,
      %parallel_loop3A_254 = vector.shape_cast %parallel_loop3A_253 : vector<1x16xf32> to vector<16xf32>
      %parallel_loop3A_255 = arith.index_cast %parallel_loop3A_46 : i32 to index
      %parallel_loop3A_256 = arith.constant 112 : index
      %parallel_loop3A_257 = tpu.vector_load %arg11[%parallel_loop3A_255, %parallel_loop3A_256] {strides = array<i32>} : memref<80x128xf32, #tpu.memory_space<vmem>>, vector<1x16xf32>,
      %parallel_loop3A_258 = vector.shape_cast %parallel_loop3A_257 : vector<1x16xf32> to vector<16xf32>
      %parallel_loop3A_259 = arith.addf %parallel_loop3A_254, %parallel_loop3A_246 : vector<16xf32>
      %parallel_loop3A_260 = arith.constant 0.000000e+00 : f32
      %parallel_loop3A_261 = vector.broadcast %parallel_loop3A_260 : f32 to vector<16xf32>
      %parallel_loop3A_262 = arith.subf %parallel_loop3A_261, %parallel_loop3A_259 : vector<16xf32>
      %parallel_loop3A_263 = math.exp %parallel_loop3A_262 : vector<16xf32>
      %parallel_loop3A_264 = arith.constant 1.000000e+00 : f32
      %parallel_loop3A_265 = vector.broadcast %parallel_loop3A_264 : f32 to vector<16xf32>
      %parallel_loop3A_266 = arith.addf %parallel_loop3A_265, %parallel_loop3A_263 : vector<16xf32>
      %parallel_loop3A_267 = arith.divf %parallel_loop3A_234, %parallel_loop3A_266 : vector<16xf32>
      %parallel_loop3A_268 = arith.index_cast %parallel_loop3A_46 : i32 to index
      %parallel_loop3A_269 = arith.constant 96 : index
      %parallel_loop3A_270 = tpu.vector_load %arg13[%parallel_loop3A_268, %parallel_loop3A_269] {strides = array<i32>} : memref<80x128xf32, #tpu.memory_space<vmem>>, vector<1x16xf32>,
      %parallel_loop3A_271 = vector.shape_cast %parallel_loop3A_270 : vector<1x16xf32> to vector<16xf32>
      %parallel_loop3A_272 = vector.shape_cast %parallel_loop3A_267 : vector<16xf32> to vector<1x16xf32>
      tpu.vector_store %arg13[%parallel_loop3A_268, %parallel_loop3A_269], %parallel_loop3A_272 {strides = array<i32>} : memref<80x128xf32, #tpu.memory_space<vmem>>, vector<1x16xf32>,
      %parallel_loop3A_273 = arith.addf %parallel_loop3A_258, %parallel_loop3A_250 : vector<16xf32>
      %parallel_loop3A_274 = arith.constant 0.000000e+00 : f32
      %parallel_loop3A_275 = vector.broadcast %parallel_loop3A_274 : f32 to vector<16xf32>
      %parallel_loop3A_276 = arith.subf %parallel_loop3A_275, %parallel_loop3A_273 : vector<16xf32>
      %parallel_loop3A_277 = math.exp %parallel_loop3A_276 : vector<16xf32>
      %parallel_loop3A_278 = arith.constant 1.000000e+00 : f32
      %parallel_loop3A_279 = vector.broadcast %parallel_loop3A_278 : f32 to vector<16xf32>
      %parallel_loop3A_280 = arith.addf %parallel_loop3A_279, %parallel_loop3A_277 : vector<16xf32>
      %parallel_loop3A_281 = arith.divf %parallel_loop3A_238, %parallel_loop3A_280 : vector<16xf32>
      %parallel_loop3A_282 = arith.index_cast %parallel_loop3A_46 : i32 to index
      %parallel_loop3A_283 = arith.constant 112 : index
      %parallel_loop3A_284 = tpu.vector_load %arg13[%parallel_loop3A_282, %parallel_loop3A_283] {strides = array<i32>} : memref<80x128xf32, #tpu.memory_space<vmem>>, vector<1x16xf32>,
      %parallel_loop3A_285 = vector.shape_cast %parallel_loop3A_284 : vector<1x16xf32> to vector<16xf32>
      %parallel_loop3A_286 = vector.shape_cast %parallel_loop3A_281 : vector<16xf32> to vector<1x16xf32>
      tpu.vector_store %arg13[%parallel_loop3A_282, %parallel_loop3A_283], %parallel_loop3A_286 {strides = array<i32>} : memref<80x128xf32, #tpu.memory_space<vmem>>, vector<1x16xf32>,
    } {sc.loop_unroll_factor = 1 : i64, sc.parallel_access}
    %add3A_32 = arith.constant 9920 : i32
    %add3A_33 = arith.addi %mul3A_2, %add3A_32 : i32
    %dma_start3A_34 = arith.constant 0 : i32
    %dma_start3A_35 = tpu.memref_slice %arg6[%add3A_33, %dma_start3A_34] : memref<320000x128xf32, #tpu.memory_space<hbm>> -> memref<80x128xf32, #tpu.memory_space<hbm>>
    %dma_start3A_36 = arith.constant 0 : i32
    %dma_start3A_37 = tpu.memref_slice %arg6[%add3A_33, %dma_start3A_36] : memref<320000x128xf32, #tpu.memory_space<hbm>> -> memref<80x128xf32, #tpu.memory_space<hbm>>
    tpu.enqueue_dma source(%arg13 : memref<80x128xf32, #tpu.memory_space<vmem>>) target(%dma_start3A_37 : memref<80x128xf32, #tpu.memory_space<hbm>>) target_semaphore(%arg19 : memref<!tpu.dma_semaphore, #tpu.memory_space<semaphore_mem>>)
    %dma_wait3A_38 = arith.constant 0 : i32
    %dma_wait3A_39 = tpu.memref_slice %arg6[%mul3A_2, %dma_wait3A_38] : memref<320000x128xf32, #tpu.memory_space<hbm>> -> memref<80x128xf32, #tpu.memory_space<hbm>>
    %dma_wait3A_40 = arith.constant 0 : i32
    %dma_wait3A_41 = tpu.memref_slice %arg6[%mul3A_2, %dma_wait3A_40] : memref<320000x128xf32, #tpu.memory_space<hbm>> -> memref<80x128xf32, #tpu.memory_space<hbm>>
    tpu.wait_dma2 semaphore(%arg20 : memref<!tpu.dma_semaphore, #tpu.memory_space<semaphore_mem>>) src(%arg14 : memref<80x128xf32, #tpu.memory_space<vmem>>) dst(%dma_wait3A_41 : memref<80x128xf32, #tpu.memory_space<hbm>>)
    %dma_wait3A_42 = arith.constant 0 : i32
    %dma_wait3A_43 = tpu.memref_slice %arg6[%mul3A_2, %dma_wait3A_42] : memref<320000x128xf32, #tpu.memory_space<hbm>> -> memref<80x128xf32, #tpu.memory_space<hbm>>
    %dma_wait3A_44 = arith.constant 0 : i32
    %dma_wait3A_45 = tpu.memref_slice %arg6[%mul3A_2, %dma_wait3A_44] : memref<320000x128xf32, #tpu.memory_space<hbm>> -> memref<80x128xf32, #tpu.memory_space<hbm>>
    tpu.wait_dma2 semaphore(%arg19 : memref<!tpu.dma_semaphore, #tpu.memory_space<semaphore_mem>>) src(%arg13 : memref<80x128xf32, #tpu.memory_space<vmem>>) dst(%dma_wait3A_45 : memref<80x128xf32, #tpu.memory_space<hbm>>)
    return
  }
}

module attributes {stable_mosaic.version = 14 : i64} {
  func.func @_gates_tc_kernel(%arg0: i32, %arg1: memref<1000x128xf32, #tpu.memory_space<vmem>>, %arg2: memref<128x128xf32, #tpu.memory_space<vmem>>, %arg3: memref<1x128xf32, #tpu.memory_space<vmem>>, %arg4: memref<1000x128xf32, #tpu.memory_space<vmem>>) attributes {dimension_semantics = [#tpu.dimension_semantics<arbitrary>], iteration_bounds = array<i64: 10>, scalar_prefetch = 0 : i64, scratch_operands = 0 : i64, tpu.core_type = #tpu.core_type<tc>, window_params = [{transform_indices = @transform_0, window_bounds = array<i64: 1000, 128>}, {pipeline_mode = #tpu.pipeline_mode<synchronous>, transform_indices = @transform_1, window_bounds = array<i64: 128, 128>}, {pipeline_mode = #tpu.pipeline_mode<synchronous>, transform_indices = @transform_2, window_bounds = array<i64: 1, 128>}, {transform_indices = @transform_3, window_bounds = array<i64: 1000, 128>}]} {
    %get3A = arith.constant 0 : index
    %get3A_0 = arith.constant 0 : index
    %get3A_1 = vector.load %arg1[%get3A, %get3A_0] : memref<1000x128xf32, #tpu.memory_space<vmem>>, vector<1000x128xf32>
    %get3A_2 = arith.constant 0 : index
    %get3A_3 = arith.constant 0 : index
    %get3A_4 = vector.load %arg2[%get3A_2, %get3A_3] : memref<128x128xf32, #tpu.memory_space<vmem>>, vector<128x128xf32>
    %dot_general3A = arith.constant dense<0.000000e+00> : vector<1000x128xf32>
    %dot_general3A_5 = tpu.matmul %get3A_1, %get3A_4, %dot_general3A {dimension_numbers = #tpu.dot_dimension_numbers<[1], [1], [0], [0], [0, 0, 1, 0], [], []>, transpose_lhs_hint = false} : vector<1000x128xf32>, vector<128x128xf32>, vector<1000x128xf32> -> vector<1000x128xf32>
    %get3A_6 = arith.constant 0 : index
    %get3A_7 = arith.constant 0 : index
    %get3A_8 = vector.load %arg3[%get3A_6, %get3A_7] : memref<1x128xf32, #tpu.memory_space<vmem>>, vector<1x128xf32>
    %add3A = vector.broadcast %get3A_8 : vector<1x128xf32> to vector<1000x128xf32>
    %add3A_9 = arith.addf %dot_general3A_5, %add3A : vector<1000x128xf32>
    %swap3A = arith.constant 0 : index
    %swap3A_10 = arith.constant 0 : index
    %swap3A_11 = vector.load %arg4[%swap3A, %swap3A_10] : memref<1000x128xf32, #tpu.memory_space<vmem>>, vector<1000x128xf32>
    tpu.vector_store %arg4[%swap3A, %swap3A_10], %add3A_9 {strides = array<i32>} : memref<1000x128xf32, #tpu.memory_space<vmem>>, vector<1000x128xf32>,
    return
  }
  func.func @transform_0(%arg0: i32) -> (i32, i32) {
    %c0_i32 = arith.constant 0 : i32
    %c0_i32_0 = arith.constant 0 : i32
    return %arg0, %c0_i32 : i32, i32
  }
  func.func @transform_1(%arg0: i32) -> (i32, i32) {
    %c0_i32 = arith.constant 0 : i32
    %c0_i32_0 = arith.constant 0 : i32
    %c0_i32_1 = arith.constant 0 : i32
    return %c0_i32, %c0_i32_0 : i32, i32
  }
  func.func @transform_2(%arg0: i32) -> (i32, i32) {
    %c0_i32 = arith.constant 0 : i32
    %c0_i32_0 = arith.constant 0 : i32
    %c0_i32_1 = arith.constant 0 : i32
    return %c0_i32, %c0_i32_0 : i32, i32
  }
  func.func @transform_3(%arg0: i32) -> (i32, i32) {
    %c0_i32 = arith.constant 0 : i32
    %c0_i32_0 = arith.constant 0 : i32
    return %arg0, %c0_i32 : i32, i32
  }
}

</mosaic_0001>

<sc_bundles>
// kernel: kernel.4.cloned.1.call-start
scs
__scs_entry_jumppad:
0x0: {  	(pc) =	sbr.rel $0x88, $3  }
0x1: {  	(tag) =	ssettag $0x0;
	lr =	simm.s32 $0x1  }
0x2: {  	[smem:$0x3F9C] =	sst lr;
	_ =	strace $0xD0000000  }
0x3: {  	_ = 	snop  }
0x4: {  	_ = 	snop  }
0x5: {  	_ = 	snop  }
0x6: {  	_ = 	snop  }
0x7: {  	_ = 	snop  }
__scs_overlays_trampoline_lowered:
0x8: {  	[smem:$0x3FAB] =	sst s0  }
0x9: {  	[smem:$0x3FAC] =	sst s1  }
0xa: {  	[smem:$0x3FAD] =	sst s2  }
0xb: {  	[smem:$0x3FAE] =	sst s3  }
0xc: {  	[smem:$0x3FAF] =	sst s4  }
0xd: {  	[smem:$0x3FB0] =	sst s5  }
0xe: {  	[smem:$0x3FB1] =	sst s6  }
0xf: {  	[smem:$0x3FB2] =	sst s7  }
0x10: {  	[smem:$0x3FB3] =	sst s8  }
0x11: {  	[smem:$0x3FB4] =	sst s9;
	s0 =	simm.s32 @!p0 $0x0  }
0x12: {  	s1 =	sld [smem:$0x3F9A];
	s0 =	simm.s32 @p0 $0x1  }
0x13: {  	[smem:$0x3FB5] =	sst s0;
	s0 =	simm.s32 @!p1 $0x0  }
0x14: {  	s2 =	sld [smem:$0x3F99];
	s0 =	simm.s32 @p1 $0x1  }
0x15: {  	[smem:$0x3FB6] =	sst s0;
	s0 =	simm.s32 @!p2 $0x0  }
0x16: {  	s3 =	sld [smem:$0x3FDB];
	s0 =	simm.s32 @p2 $0x1  }
0x17: {  	s4 =	simm.s32 $0x1BF5;
	[smem:$0x3FB8] =	sst s0  }
0x18: {  	s0 =	sld [smem:$0x3F9B];
	_ =	swait.ge [sflag:s4], $0x0  }
0x19: {  	s7 =	sld [smem:$0x3F9C]  }
0x1a: {  	s8 =	sadd.s32 $0xFFFFE003, lr  }
0x1b: {  	s9 =	sadd.s32 $0xFFFFFEF7, lr;
	s5 =	simm.s32 $0xFFFFFFFF;
	p2 =	slt.u32 s8, $0xFFFFF086  }
0x1c: {  	p1 =	slt.u32 s9, $0xF7A;
	s5 =	simm.s32 @!p2 $0x0  }
0x1d: {  	s5 =	simm.s32 @p1 $0x1;
	p0 =	seq.s32 s7, s2  }
0x1e: {  	s7 =	smul.u32 @!p0 $0xF7A, s2;
	p2 =	seq.s32 @!p0 s5, $0x0  }
0x1f: {  	s9 =	smul.u32 $0xF7A, s1;
	s8 =	simm.s32 @!p0 $0x1BF5;
	p2 =	por !p2, p0  }
0x20: {  	[sflag:s8] =	ssyncset.s32 @!p0 $0xFFFFF086;
	s6 =	sadd.s32 @!p0 s3, s7;
	s7 =	simm.s32 @!p0 $0x108  }
0x21: {  	s3 =	sadd.s32 s3, s9;
	s6 =	sadd.s32 @!p0 $0x88, s6;
	s7 =	simm.s32 @p2 $0x1082  }
0x22: {  	[simem:s7], [sflag:s8] =	dma.local @!p0 [hbm:s6], $0xF7A  }
0x23: {  	s9 =	sor.u32 $0xD0000000, s2;
	s6 =	simm.s32 $0x108;
	_ =	swait.ge @!p0 [sflag:s8], $0x0  }
0x24: {  	s3 =	sadd.s32 $0x88, s3;
	s6 =	simm.s32 @!p1 $0x1082;
	[sflag:s4] =	ssyncset.s32 $0xFFFFF086  }
0x25: {  	[simem:s6], [sflag:s4] =	dma.local [hbm:s3], $0xF7A  }
0x26: {  	[smem:$0x3F9C] =	sst s1;
	(tag) =	ssettag s2;
	_ =	strace s9  }
0x27: {  	s1 =	sld [smem:$0x3FAC]  }
0x28: {  	s2 =	sld [smem:$0x3FAD]  }
0x29: {  	s4 =	sld [smem:$0x3FAF]  }
0x2a: {  	p0 =	seq.s32 s5, $0x0;
	s5 =	sld [smem:$0x3FB0]  }
0x2b: {  	s6 =	sld [smem:$0x3FB1]  }
0x2c: {  	s7 =	sld [smem:$0x3FB2]  }
0x2d: {  	s3 =	simm.s32 $0x108;
	s8 =	sld [smem:$0x3FB3]  }
0x2e: {  	s3 =	simm.s32 @!p0 $0x1082;
	s9 =	sld [smem:$0x3FB4]  }
0x2f: {  	lr =	sadd.s32 s0, s3;
	s0 =	sld [smem:$0x3FAB]  }
0x30: {  	s3 =	sld [smem:$0x3FAE]  }
0x31: {  	[smem:$0x3FB7] =	sst s10  }
0x32: {  	s10 =	sld [smem:$0x3FB5];
	_ =	sdelay $0x3  }
0x33: {  	p0 =	seq.s32 s10, $0x1;
	s10 =	sld [smem:$0x3FB7];
	_ =	sdelay $0x3  }
0x34: {  	[smem:$0x3FB7] =	sst s10  }
0x35: {  	s10 =	sld [smem:$0x3FB6];
	_ =	sdelay $0x3  }
0x36: {  	p1 =	seq.s32 s10, $0x1;
	s10 =	sld [smem:$0x3FB7];
	_ =	sdelay $0x3  }
0x37: {  	[smem:$0x3FB7] =	sst s10  }
0x38: {  	s10 =	sld [smem:$0x3FB8]  }
0x39: {  	_ = 	snop;
	(pc) =	sbr.ind lr, $3  }
0x3a: {  	_ = 	snop  }
0x3b: {  	_ = 	snop  }
0x3c: {  	p2 =	seq.s32 s10, $0x1;
	s10 =	sld [smem:$0x3FB7]  }
0x3d: {  	_ =	shalt  }
0x3e: {  	_ =	shalt  }
0x3f: {  	_ =	shalt  }
0x40: {  	_ =	shalt  }
0x41: {  	_ =	shalt  }
0x42: {  	_ =	shalt  }
0x43: {  	_ =	shalt  }
0x44: {  	_ =	shalt  }
0x45: {  	_ =	shalt  }
0x46: {  	_ =	shalt  }
0x47: {  	_ =	shalt  }
0x48: {  	_ =	shalt  }
0x49: {  	_ =	shalt  }
0x4a: {  	_ =	shalt  }
0x4b: {  	_ =	shalt  }
0x4c: {  	_ =	shalt  }
0x4d: {  	_ =	shalt  }
0x4e: {  	_ =	shalt  }
0x4f: {  	_ =	shalt  }
0x50: {  	_ =	shalt  }
0x51: {  	_ =	shalt  }
0x52: {  	_ =	shalt  }
0x53: {  	_ =	shalt  }
0x54: {  	_ =	shalt  }
0x55: {  	_ =	shalt  }
0x56: {  	_ =	shalt  }
0x57: {  	_ =	shalt  }
0x58: {  	_ =	shalt  }
0x59: {  	_ =	shalt  }
0x5a: {  	_ =	shalt  }
0x5b: {  	_ =	shalt  }
0x5c: {  	_ =	shalt  }
0x5d: {  	_ =	shalt  }
0x5e: {  	_ =	shalt  }
0x5f: {  	_ =	shalt  }
0x60: {  	_ =	shalt  }
0x61: {  	_ =	shalt  }
0x62: {  	_ =	shalt  }
0x63: {  	_ =	shalt  }
0x64: {  	_ =	shalt  }
0x65: {  	_ =	shalt  }
0x66: {  	_ =	shalt  }
0x67: {  	_ =	shalt  }
0x68: {  	_ =	shalt  }
0x69: {  	_ =	shalt  }
0x6a: {  	_ =	shalt  }
0x6b: {  	_ =	shalt  }
0x6c: {  	_ =	shalt  }
0x6d: {  	_ =	shalt  }
0x6e: {  	_ =	shalt  }
0x6f: {  	_ =	shalt  }
0x70: {  	_ =	shalt  }
0x71: {  	_ =	shalt  }
0x72: {  	_ =	shalt  }
0x73: {  	_ =	shalt  }
0x74: {  	_ =	shalt  }
0x75: {  	_ =	shalt  }
0x76: {  	_ =	shalt  }
0x77: {  	_ =	shalt  }
0x78: {  	_ =	shalt  }
0x79: {  	_ =	shalt  }
0x7a: {  	_ =	shalt  }
0x7b: {  	_ =	shalt  }
0x7c: {  	_ =	shalt  }
0x7d: {  	_ =	shalt  }
0x7e: {  	_ =	shalt  }
0x7f: {  	_ =	shalt  }
0x80: {  	_ =	shalt  }
0x81: {  	_ =	shalt  }
0x82: {  	_ =	shalt  }
0x83: {  	_ =	shalt  }
0x84: {  	_ =	shalt  }
0x85: {  	_ =	shalt  }
0x86: {  	_ =	shalt  }
0x87: {  	_ =	shalt  }
.Lfunc_end0:
.L_simem_size_0:
called_computation_lowered:
.L_overlay_start_0:
0x88: {  	s2 =	sld [smem:$0x3FD9]  }
0x89: {  	s3 =	sld [smem:$0x3FFE];
	_ =	sdelay $0x1  }
0x8a: {  	s1 =	srdreg.scid  }
0x8b: {  	s0 =	sand.u32 $0x1, s1  }
0x8c: {  	s17 =	sshll.u32 s0, $0xA;
	s2 =	sadd.s32 s3, s2  }
0x8d: {  	s2 =	sadd.s32 s2, s17  }
0x8e: {  	[smem:$0x3FC3] =	sst s2  }
0x8f: {  	_ = 	snop  }
0x90: {  	s2 =	sld [smem:$0x3FC8]  }
0x91: {  	s18 =	sld [smem:$0x3FD0];
	(tm) =	ssettm $0x1  }
0x92: {  	s4 =	sld [smem:$0x3FFB];
	_ =	sdelay $0x3  }
0x93: {  	_ =	strace s4  }
0x94: {  	s4 =	sld [smem:$0x3FFC];
	_ =	sdelay $0x3  }
0x95: {  	_ =	strace s4  }
0x96: {  	s4 =	sld [smem:$0x3FFD];
	_ =	sdelay $0x3  }
0x97: {  	_ =	strace s4  }
0x98: {  	_ =	strace $0x8FFFFFFF  }
0x99: {  	s19 =	sld [smem:$0x3FDB];
	_ =	sdelay $0x1  }
0x9a: {  	s5 =	simm.s32 $_scs_section_size  }
0x9b: {  	s6 =	simm.s32 $_size__tile_overlayer_lowered;
	s7 =	simm.s32 $_tile_overlayer_lowered  }
0x9c: {  	s22 =	simm.s32 $0x1BFF;
	s21 =	sshll.u32 s7, $0x1;
	s4 =	sadd.s32 s5, s19  }
0x9d: {  	s8 =	simm.s32 $0x0;
	s20 =	sshll.u32 s6, $0x1;
	s6 =	sadd.s32 s21, s4  }
0x9e: {  	[timem:s8], [sflag:s22] =	dma.local [hbm:s6], s20  }
0x9f: {  	_ =	swait.ge [sflag:s22], s20  }
0xa0: {  	s5 =	ssub.s32 $0x0, s20;
	[sflag:s22] =	ssyncset.done $0x0  }
0xa1: {  	[sflag:s22] =	ssyncadd.s32 s5;
	_ =	sdelay $0x1  }
0xa2: {  	s23 =	simm.s32 $0x1B8B  }
0xa3: {  	_ =	swait.ge [sflag:s23], $0x1  }
0xa4: {  	[sflag:s23] =	ssyncset.done $0x0  }
0xa5: {  	s25 =	simm.s32 $0x1B8E;
	s24 =	sld [smem:$0x3FFE];
	[sflag:s23] =	ssyncadd.s32 $0xFFFFFFFF  }
0xa6: {  	s26 =	simm.s32 $execute0_lowered;
	[smem:$0x3FD2] =	sst s25  }
0xa7: {  	s6 =	sshll.u32 s26, $0x1;
	_ =	strace $0x80000046;
	[dreg:$0x1] =	wrdreg $0xFFFFFFFF  }
0xa8: {  	s28 =	simm.s32 $_size_execute0_lowered;
	s4 =	sadd.s32 s4, s6;
	[dreg:$0x0] =	wrdreg $0x0  }
0xa9: {  	s6 =	sshll.u32 s28, $0x1;
	[dreg:$0x2] =	wrdreg s4  }
0xaa: {  	[dreg:$0x3] =	wrdreg s6  }
0xab: {  	[dreg:$0x4] =	wrdreg $0xC0  }
0xac: {  	_ =	task [dreg:s8], $0x5FFFF  }
0xad: {  	[dreg:$0x1] =	wrdreg $0xFFFFFFFF  }
0xae: {  	[dreg:$0x0] =	wrdreg $0x60  }
0xaf: {  	[dreg:$0x2] =	wrdreg s24  }
0xb0: {  	[dreg:$0x3] =	wrdreg s2  }
0xb1: {  	[dreg:$0x4] =	wrdreg s18  }
0xb2: {  	[dreg:$0x5] =	wrdreg $0x9  }
0xb3: {  	_ =	task.clear_ibuf [dreg:s8], $0x6FFFF;
	_ =	strace $0x90000046  }
0xb4: {  	s29 =	simm.s32 $0x9;
	_ =	strace $0x80000048  }
0xb5: {  	_ =	swait.ge [sflag:s29], $0x1  }
0xb6: {  	[sflag:s29] =	ssyncadd.s32 $0xFFFFFFFF  }
0xb7: {  	_ =	strace $0x90000048  }
0xb8: {  	_ =	sfence  }
0xb9: {  	s30 =	sld [smem:$0x0];
	_ =	sdelay $0x2  }
0xba: {  	s31 =	sshll.u32 s1, $0xD;
	s1 =	sshrl.u32 s1, $0x2  }
0xbb: {  	s3 =	sand.u32 $0x4000, s31;
	s1 =	sadd.s32 s1, s30  }
0xbc: {  	s0 =	sor.u32 s3, s0;
	s1 =	sshll.u32 s1, $0x11  }
0xbd: {  	s0 =	sor.u32 s1, s0  }
0xbe: {  	s0 =	sadd.s32 $0x8F2B, s0  }
0xbf: {  	[sflag:s0] =	ssyncadd.remote.s32 $0x1  }
0xc0: {  	_ =	sfence.sel $0xFFFF  }
0xc1: {  	[dreg:$0x0] =	wrdreg $0xFFFFFFFF;
	(pc) =	sbr.abs _section_cstart, $3  }
0xc2: {  	[dreg:$0x1] =	wrdreg $0xFFFFFFFF  }
0xc3: {  	_ =	task.clear_ibuf [dreg:s8], $0x2FFFF;
	_ =	strace $0x9FFFFFFF  }
0xc4: {  	(tm) =	ssettm $0x7FFFFFFF  }
0xc5: {  	_ =	shalt  }
tec
execute0_lowered:
.L_overlay_start_1:
0x0: {  	(tag) =	ssettag $0x1  }
0x1: {  	s0 =	rddreg [dreg:$0x0]  }
0x2: {  	s2 =	rddreg [dreg:$0x1];
	s1 =	srdreg.scid  }
0x3: {  	s4 =	stileid.u32;
	s3 =	rddreg [dreg:$0x2];
	s11 =	simm.s32 $0x7  }
0x4: {  	s13 =	simm.s32 $0x50;
	s14 =	simm.s32 $0x4F00;
	s15 =	simm.s32 $0x9F00  }
0x5: {  	s16 =	simm.s32 $0x1;
	s17 =	simm.s32 $0x3;
	s18 =	simm.s32 $0x7700  }
0x6: {  	s19 =	simm.s32 $0xC700;
	s20 =	simm.s32 $0xEF00;
	s21 =	simm.s32 $0x2  }
0x7: {  	s22 =	simm.s32 $0x4;
	s1 =	sand.u32 $0x1, s1;
	s5 =	sshll.u32 s4, $0x1  }
0x8: {  	s23 =	simm.s32 $0x11700;
	s24 =	simm.s32 $0x5;
	s6 =	sor.u32 s1, s5  }
0x9: {  	s25 =	simm.s32 $0x6;
	s4 =	simm.s32 $0x0;
	s5 =	smul.u32 $0x2710, s6  }
0xa: {  	s26 =	simm.s32 $0x0;
	[smem:$0x7FF] =	sst s4;
	s8 =	smul.u32 $0x138800, s6  }
0xb: {  	s1 =	ssub.s32 $0x2, s1;
	_ =	strace $0x80000047;
	s6 =	sadd.s32 $0x13C00, s0  }
0xc: {  	s9 =	sshrl.u32 s1, $0x1;
	s7 =	sshrl.u32 s5, $0x3;
	s31 =	sshrl.u32 s8, $0x3  }
0xd: {  	s1 =	ssub.s32 s1, s9;
	s7 =	sadd.s32 s0, s7;
	s0 =	sadd.s32 s3, s31  }
0xe: {  	s10 =	smax.u32 s1, $0x1;
	s8 =	sadd.s32 $0x9E00, s7;
	s9 =	sadd.s32 $0x26C00, s0  }
.LBB2_1:
0xf: {  	[tilespmem:s4], [sflag:$0x7] =	stream.linear.gather [hbm4b:s8+s4], $0x2710, $0x38;
	[tilespmem:$0x13F00] =	vst v63  }
0x10: {  	_ =	swait.ge [sflag:s11], $0x2710  }
0x11: {  	[sflag:s11] =	ssyncset.done $0x0  }
0x12: {  	s0 =	simm.s32 $0x2780;
	[sflag:s11] =	ssyncadd.s32 $0xFFFFD8F0  }
0x13: {  	[tilespmem:s0], [sflag:$0x7] =	stream.linear.gather [hbm4b:s7+s4], $0x2710, $0x38;
	[tilespmem:$0x13F00] =	vst v63  }
0x14: {  	_ =	swait.ge [sflag:s11], $0x2710  }
0x15: {  	[sflag:s11] =	ssyncset.done $0x0  }
0x16: {  	[sflag:s11] =	ssyncadd.s32 $0xFFFFD8F0  }
0x17: {  	[tilespmem:s14], [sflag:$0x1] =	stream.indirect.gather [hbm4b:s6+s13], $0x80, s4, s13, $0xb8;
	[tilespmem:$0x13F00] =	vst v63  }
0x18: {  	s28 =	simm.s32 $0x0  }
0x19: {  	[tilespmem:s15], [sflag:$0x3] =	stream.indirect.gather [hbm4b:s2+s13], $0x80, s0, s13, $0xb8;
	[tilespmem:$0x13F00] =	vst v63  }
.LBB2_2:
0x1a: {  	_ =	swait.ge [sflag:s16], $0x2800  }
0x1b: {  	[sflag:s16] =	ssyncset.done $0x0  }
0x1c: {  	[sflag:s16] =	ssyncadd.s32 $0xFFFFD800  }
0x1d: {  	s30 =	smul.u32 $0xA0, s28;
	_ =	swait.ge [sflag:s17], $0x2800  }
0x1e: {  	[sflag:s17] =	ssyncset.done $0x0  }
0x1f: {  	s29 =	sadd.s32 $0x50, s30;
	[sflag:s17] =	ssyncadd.s32 $0xFFFFD800  }
0x20: {  	[tilespmem:s18], [sflag:$0x2] =	stream.indirect.gather [hbm4b:s6+s13], $0x80, s29, s13, $0xb8;
	[tilespmem:$0x13F00] =	vst v63  }
0x21: {  	p0 =	seq.s32 s28, $0x0;
	s0 =	sadd.s32 $0x27D0, s30  }
0x22: {  	[tilespmem:s19], [sflag:$0x4] =	stream.indirect.gather [hbm4b:s2+s13], $0x80, s0, s13, $0xb8;
	[tilespmem:$0x13F00] =	vst v63  }
0x23: {  	s0 =	simm.s32 @!p0 $0x5  }
0x24: {  	_ =	swait.ge @!p0 [sflag:s0], $0x2800  }
0x25: {  	[sflag:s0] =	ssyncset.done @!p0 $0x0  }
0x26: {  	s31 =	simm.s32 $0x0;
	[sflag:s0] =	ssyncadd.s32 @!p0 $0xFFFFD800  }
0x27: {  	v0 =	vld [tilespmem:s31+$0x4F50]  }
0x28: {  	v1 =	vld [tilespmem:s31+$0x9F20];
	_ =	sdelay $0x1  }
0x29: {  	v2 =	vld [tilespmem:s31+$0x9F30]  }
0x2a: {  	v3 =	vld [tilespmem:s31+$0x4F70]  }
0x2b: {  	v5 =	vld [tilespmem:s31+$0x4F60];
	v4 =	vshll.u32 v0, $0x10  }
0x2c: {  	v6 =	vld [tilespmem:s31+$0x9F50];
	v1 =	vadd.f32 v4, v1  }
0x2d: {  	v7 =	vld [tilespmem:s31+$0x9F70]  }
0x2e: {  	v9 =	vld [tilespmem:s31+$0x9F40];
	v1 =	vsub.f32 $0.0e+00, v1  }
0x2f: {  	v4 =	vld [tilespmem:s31+$0x4F40]  }
0x30: {  	v8 =	vld [tilespmem:s31+$0x9F00];
	v0 =	vand.u32 $0xFFFF0000, v0;
	v10 =	vand.u32 $0xFFFF0000, v5;
	v1 =	vmul.f32 $1.442695020e+00, v1  }
0x31: {  	v0 =	vadd.f32 v0, v2;
	v2 =	vadd.f32 v10, v6  }
0x32: {  	(erf) = vpow2.f32 v1;
	v1 =	vshll.u32 v3, $0x10;
	v3 =	vand.u32 $0xFFFF0000, v3  }
0x33: {  	v5 =	vshll.u32 v5, $0x10;
	v0 =	vsub.f32 $0.0e+00, v0;
	v3 =	vadd.f32 v3, v7  }
0x34: {  	v6 =	vld [tilespmem:s31+$0x9F60];
	v5 =	vadd.f32 v5, v9;
	v2 =	vsub.f32 $0.0e+00, v2;
	v10 =	vshll.u32 v4, $0x10  }
0x35: {  	v9 =	vmul.f32 $1.442695020e+00, v0;
	v8 =	vadd.f32 v10, v8;
	v7 =	vld [tilespmem:s31+$0x9F10];
	v3 =	vsub.f32 $0.0e+00, v3  }
0x36: {  	v2 =	vmul.f32 $1.442695020e+00, v2  }
0x37: {  	(erf) = vpow2.f32 v9;
	v8 =	vsub.f32 $0.0e+00, v8;
	v3 =	vmul.f32 $1.442695020e+00, v3  }
0x38: {  	v5 =	vsub.f32 $0.0e+00, v5;
	v4 =	vand.u32 $0xFFFF0000, v4  }
0x39: {  	s1 =	simm.s32 $0x80;
	v0 =	vld [tilespmem:s31+$0x4F10];
	v1 =	vadd.f32 v1, v6;
	(erf) = vpow2.f32 v2;
	v6 =	vmul.f32 $1.442695020e+00, v8  }
0x3a: {  	v5 =	vmul.f32 $1.442695020e+00, v5;
	v8 =	vld [tilespmem:s1+$0x9F30];
	v2 =	vadd.f32 v4, v7;
	(erf) = vpow2.f32 v3  }
0x3b: {  	v1 =	vsub.f32 $0.0e+00, v1;
	v7 =	vld [tilespmem:s1+$0x4F70];
	(erf) = vpow2.f32 v6;
	v3 =	vpop (erf)  }
0x3c: {  	v2 =	vsub.f32 $0.0e+00, v2;
	v6 =	vld [tilespmem:s1+$0x4F50];
	(erf) = vpow2.f32 v5;
	v3 =	vadd.f32 $1.000000000e+00, v3  }
0x3d: {  	v1 =	vmul.f32 $1.442695020e+00, v1;
	v4 =	vld [tilespmem:s1+$0x9F20]  }
0x3e: {  	v5 =	vld [tilespmem:s1+$0x4F60];
	v2 =	vmul.f32 $1.442695020e+00, v2;
	(erf) = vrcp.f32 v3  }
0x3f: {  	(erf) = vpow2.f32 v1  }
0x40: {  	v12 =	vpop (erf);
	v10 =	vshll.u32 v7, $0x10;
	(erf) = vpow2.f32 v2;
	v2 =	vld [tilespmem:s1+$0x9F50]  }
0x41: {  	v12 =	vadd.f32 $1.000000000e+00, v12;
	v3 =	vld [tilespmem:s1+$0x4F40];
	v11 =	vshll.u32 v6, $0x10;
	v6 =	vand.u32 $0xFFFF0000, v6  }
0x42: {  	v13 =	vld [tilespmem:s1+$0x9F00];
	v14 =	vpop (erf);
	v7 =	vand.u32 $0xFFFF0000, v7;
	v4 =	vadd.f32 v11, v4;
	v6 =	vadd.f32 v6, v8  }
0x43: {  	v9 =	vld [tilespmem:s1+$0x9F40];
	v14 =	vadd.f32 $1.000000000e+00, v14;
	v1 =	vshll.u32 v0, $0x10;
	v11 =	vand.u32 $0xFFFF0000, v5;
	v8 =	vpop (erf)  }
0x44: {  	v16 =	vld [tilespmem:s1+$0x9F10];
	v5 =	vshll.u32 v5, $0x10;
	v4 =	vsub.f32 $0.0e+00, v4;
	v6 =	vsub.f32 $0.0e+00, v6;
	v17 =	vpop (erf)  }
0x45: {  	v8 =	vadd.f32 $1.000000000e+00, v8;
	(erf) = vrcp.f32 v12;
	v12 =	vpop (erf);
	v2 =	vadd.f32 v11, v2;
	v11 =	vld [tilespmem:s1+$0x9F70]  }
0x46: {  	v15 =	vshll.u32 v3, $0x10;
	v3 =	vand.u32 $0xFFFF0000, v3;
	v12 =	vadd.f32 $1.000000000e+00, v12  }
0x47: {  	v4 =	vmul.f32 $1.442695020e+00, v4;
	v13 =	vadd.f32 v15, v13;
	(erf) = vrcp.f32 v8  }
0x48: {  	v18 =	vld [tilespmem:s1+$0x9F60];
	v15 =	vadd.f32 v5, v9;
	v5 =	vpop (erf);
	v2 =	vsub.f32 $0.0e+00, v2;
	(erf) = vrcp.f32 v12  }
0x49: {  	v3 =	vadd.f32 v3, v16;
	v8 =	vmul.f32 $1.442695020e+00, v6;
	v6 =	vpop (erf);
	(erf) = vpow2.f32 v4  }
0x4a: {  	v9 =	vmul.f32 $1.442695020e+00, v2;
	v6 =	vadd.f32 $1.000000000e+00, v6;
	v2 =	vld [tilespmem:s31+$0x4F00];
	v7 =	vadd.f32 v7, v11  }
0x4b: {  	v13 =	vsub.f32 $0.0e+00, v13;
	v4 =	vpop (erf);
	(erf) = vrcp.f32 v14;
	v11 =	vsub.f32 $0.0e+00, v3;
	v3 =	vld [tilespmem:s31+$0x4F30]  }
0x4c: {  	v14 =	vadd.f32 $1.000000000e+00, v17;
	v63 =	vadd.f32 $1.000000000e+00, v4;
	v4 =	vld [tilespmem:s31+$0x4F20];
	(erf) = vrcp.f32 v6  }
0x4d: {  	v12 =	vsub.f32 $0.0e+00, v7;
	v6 =	vmul.f32 $1.442695020e+00, v11;
	v11 =	vadd.f32 v10, v18  }
0x4e: {  	s0 =	simm.s32 $0x400;
	v10 =	vmul.f32 $1.442695020e+00, v13;
	v13 =	vsub.f32 $0.0e+00, v15;
	(erf) = vrcp.f32 v63;
	v7 =	vpop (erf)  }
.LBB2_3:
0x4f: {  	s12 =	sshra.s32 s0, $0x2;
	p1 =	sne.s32 s0, $0x9E00;
	s0 =	sadd.s32 $0x200, s0;
	v15 =	vld [tilespmem:s1+$0x4F10];
	v16 =	vshll.u32 v2, $0x10;
	v1 =	vmul.f32 v1, v5;
	(erf) = vrcp.f32 v14  }
0x50: {  	v12 =	vmul.f32 $1.442695020e+00, v12;
	v5 =	vld [tilespmem:s12+$0x9F30];
	(erf) = vpow2.f32 v8;
	v8 =	vand.u32 $0xFFFF0000, v3;
	v14 =	vpop (erf)  }
0x51: {  	v17 =	vld [tilespmem:s12+$0x9F60];
	(erf) = vpow2.f32 v9;
	[tilespmem:s31+$0xEF20] =	vst v1;
	v1 =	vshll.u32 v4, $0x10;
	v8 =	vmul.f32 v8, v14;
	v9 =	vpop (erf)  }
0x52: {  	v11 =	vsub.f32 $0.0e+00, v11;
	v13 =	vmul.f32 $1.442695020e+00, v13;
	v14 =	vld [tilespmem:s12+$0x9F20];
	v18 =	vpop (erf);
	(erf) = vpow2.f32 v12  }
0x53: {  	v19 =	vmul.f32 v1, v9;
	v12 =	vld [tilespmem:s12+$0x4F70];
	v18 =	vadd.f32 $1.000000000e+00, v18;
	(erf) = vpow2.f32 v10;
	[tilespmem:s31+$0xEF70] =	vst v8  }
0x54: {  	v20 =	vand.u32 $0xFFFF0000, v0;
	v9 =	vmul.f32 $1.442695020e+00, v11;
	v8 =	vld [tilespmem:s12+$0x4F50];
	(erf) = vpow2.f32 v13;
	v10 =	vpop (erf)  }
0x55: {  	v7 =	vmul.f32 v20, v7;
	v13 =	vand.u32 $0xFFFF0000, v4;
	v11 =	vld [tilespmem:s12+$0x4F60];
	(erf) = vrcp.f32 v18;
	[tilespmem:s31+$0xEF40] =	vst v19;
	v1 =	vpop (erf)  }
0x56: {  	v3 =	vshll.u32 v3, $0x10;
	v0 =	vmovc v15;
	v4 =	vld [tilespmem:s12+$0x4F40];
	(erf) = vpow2.f32 v9;
	v9 =	vmul.f32 v13, v10  }
0x57: {  	v2 =	vand.u32 $0xFFFF0000, v2;
	v3 =	vmul.f32 v3, v1;
	v10 =	vld [tilespmem:s12+$0x9F40];
	(erf) = vpow2.f32 v6;
	[tilespmem:s31+$0xEF30] =	vst v7;
	v6 =	vpop (erf)  }
0x58: {  	v1 =	vshll.u32 v0, $0x10;
	v7 =	vld [tilespmem:s12+$0x9F50];
	v13 =	vshll.u32 v12, $0x10;
	v2 =	vmul.f32 v2, v6;
	[tilespmem:s31+$0xEF50] =	vst v9;
	v6 =	vpop (erf)  }
0x59: {  	v9 =	vshll.u32 v8, $0x10;
	v8 =	vand.u32 $0xFFFF0000, v8;
	v15 =	vpop (erf);
	v6 =	vmul.f32 v16, v6;
	[tilespmem:s31+$0xEF60] =	vst v3  }
0x5a: {  	v3 =	vld [tilespmem:s12+$0x9F00];
	v9 =	vadd.f32 v9, v14;
	v14 =	vand.u32 $0xFFFF0000, v11;
	v15 =	vadd.f32 $1.000000000e+00, v15;
	v16 =	vpop (erf)  }
0x5b: {  	v20 =	vadd.f32 v8, v5;
	v8 =	vshll.u32 v11, $0x10;
	v18 =	vshll.u32 v4, $0x10;
	v11 =	vpop (erf);
	[tilespmem:s31+$0xEF10] =	vst v2  }
0x5c: {  	v2 =	vand.u32 $0xFFFF0000, v4;
	v16 =	vadd.f32 $1.000000000e+00, v16;
	v4 =	vld [tilespmem:s12+$0x9F10];
	v9 =	vsub.f32 $0.0e+00, v9;
	v19 =	vpop (erf);
	[tilespmem:s31+$0xEF00] =	vst v6;
	s31 =	smov.u32 s1;
	s1 =	smov.u32 s12  }
0x5d: {  	v11 =	vadd.f32 $1.000000000e+00, v11;
	v6 =	vadd.f32 v14, v7;
	v7 =	vld [tilespmem:s1+$0x9F70];
	(erf) = vrcp.f32 v15;
	v14 =	vpop (erf)  }
0x5e: {  	v15 =	vsub.f32 $0.0e+00, v20;
	v9 =	vmul.f32 $1.442695020e+00, v9;
	v14 =	vadd.f32 $1.000000000e+00, v14;
	v5 =	vpop (erf)  }
0x5f: {  	v20 =	vadd.f32 v8, v10;
	v18 =	vadd.f32 v18, v3;
	v3 =	vpop (erf);
	(erf) = vrcp.f32 v11  }
0x60: {  	v8 =	vmul.f32 $1.442695020e+00, v15;
	v6 =	vsub.f32 $0.0e+00, v6;
	v10 =	vpop (erf);
	(erf) = vrcp.f32 v14  }
0x61: {  	v4 =	vadd.f32 v2, v4;
	v2 =	vand.u32 $0xFFFF0000, v12;
	(erf) = vpow2.f32 v9  }
.Ltmp0:
0x62: {  	v9 =	vmul.f32 $1.442695020e+00, v6;
	v6 =	vadd.f32 v2, v7;
	v2 =	vld [tilespmem:s31+$0x4F00];
	v7 =	vadd.f32 $1.000000000e+00, v3;
	(pc) =	sbr.rel @p1 .LBB2_3-.Ltmp0, $4  }
0x63: {  	v15 =	vadd.f32 $1.000000000e+00, v10;
	v11 =	vsub.f32 $0.0e+00, v4;
	v3 =	vld [tilespmem:s31+$0x4F30];
	(erf) = vrcp.f32 v16  }
0x64: {  	v10 =	vsub.f32 $0.0e+00, v18;
	v12 =	vsub.f32 $0.0e+00, v6;
	v4 =	vld [tilespmem:s31+$0x4F20];
	(erf) = vrcp.f32 v7  }
0x65: {  	v14 =	vadd.f32 $1.000000000e+00, v19;
	v6 =	vmul.f32 $1.442695020e+00, v11;
	v11 =	vadd.f32 v13, v17  }
0x66: {  	v10 =	vmul.f32 $1.442695020e+00, v10;
	v13 =	vsub.f32 $0.0e+00, v20;
	(erf) = vrcp.f32 v15;
	v7 =	vpop (erf)  }
0x67: {  	v12 =	vmul.f32 $1.442695020e+00, v12  }
0x68: {  	(erf) = vrcp.f32 v14  }
0x69: {  	(erf) = vpow2.f32 v8;
	v8 =	vpop (erf)  }
0x6a: {  	(erf) = vpow2.f32 v9;
	v9 =	vpop (erf)  }
0x6b: {  	v11 =	vsub.f32 $0.0e+00, v11;
	(erf) = vpow2.f32 v12;
	v12 =	vpop (erf)  }
0x6c: {  	(erf) = vpow2.f32 v10;
	v10 =	vadd.f32 $1.000000000e+00, v12  }
0x6d: {  	v13 =	vmul.f32 $1.442695020e+00, v13;
	v11 =	vmul.f32 $1.442695020e+00, v11;
	_ =	sdelay $0x1  }
0x6e: {  	(erf) = vpow2.f32 v13;
	v12 =	vpop (erf)  }
0x6f: {  	(erf) = vrcp.f32 v10;
	v10 =	vpop (erf)  }
0x70: {  	(erf) = vpow2.f32 v11;
	v11 =	vpop (erf)  }
0x71: {  	(erf) = vpow2.f32 v6;
	v6 =	vpop (erf)  }
0x72: {  	v13 =	vpop (erf)  }
0x73: {  	v14 =	vpop (erf)  }
0x74: {  	v13 =	vadd.f32 $1.000000000e+00, v13;
	v15 =	vpop (erf)  }
0x75: {  	v15 =	vadd.f32 $1.000000000e+00, v15  }
0x76: {  	v16 =	vpop (erf);
	(erf) = vrcp.f32 v13  }
0x77: {  	v17 =	vpop (erf);
	(erf) = vrcp.f32 v15  }
0x78: {  	v1 =	vmul.f32 v1, v5;
	v0 =	vand.u32 $0xFFFF0000, v0;
	v5 =	vadd.f32 $1.000000000e+00, v17  }
0x79: {  	v0 =	vmul.f32 v0, v7;
	v13 =	vand.u32 $0xFFFF0000, v3;
	v3 =	vshll.u32 v3, $0x10  }
0x7a: {  	v8 =	vmul.f32 v13, v8;
	v13 =	vadd.f32 $1.000000000e+00, v14;
	v18 =	vpop (erf);
	(erf) = vrcp.f32 v5  }
0x7b: {  	v7 =	vld [tilespmem:s1+$0x4F30];
	v59 =	vshll.u32 v4, $0x10;
	[tilespmem:s31+$0xEF30] =	vst v0;
	v0 =	vmul.f32 v3, v10;
	v14 =	vpop (erf)  }
0x7c: {  	[tilespmem:s31+$0xEF20] =	vst v1;
	v15 =	vld [tilespmem:s1+$0x4F10];
	v5 =	vmul.f32 v59, v9;
	v9 =	vpop (erf);
	v14 =	vadd.f32 $1.000000000e+00, v14;
	(erf) = vrcp.f32 v13  }
0x7d: {  	v4 =	vand.u32 $0xFFFF0000, v4;
	[tilespmem:s31+$0xEF70] =	vst v8;
	v1 =	vadd.f32 $1.000000000e+00, v9  }
0x7e: {  	v4 =	vmul.f32 v4, v12;
	v8 =	vadd.f32 $1.000000000e+00, v16;
	(erf) = vrcp.f32 v14;
	[tilespmem:s31+$0xEF40] =	vst v5;
	v5 =	vld [tilespmem:s1+$0x4F20]  }
0x7f: {  	[tilespmem:s31+$0xEF60] =	vst v0;
	(erf) = vrcp.f32 v1;
	v1 =	vand.u32 $0xFFFF0000, v2;
	v2 =	vshll.u32 v2, $0x10;
	v0 =	vpop (erf)  }
0x80: {  	[tilespmem:s31+$0xEF50] =	vst v4;
	v4 =	vand.u32 $0xFFFF0000, v7;
	v1 =	vmul.f32 v1, v11;
	v2 =	vmul.f32 v2, v6;
	v6 =	vpop (erf)  }
0x81: {  	v3 =	vshll.u32 v15, $0x10;
	(erf) = vrcp.f32 v8;
	v4 =	vmul.f32 v4, v6  }
0x82: {  	v3 =	vmul.f32 v3, v18;
	[tilespmem:s31+$0xEF10] =	vst v1  }
0x83: {  	[tilespmem:s31+$0xEF00] =	vst v2;
	v2 =	vshll.u32 v5, $0x10;
	v6 =	vpop (erf)  }
0x84: {  	v1 =	vld [tilespmem:s1+$0x4F00];
	[tilespmem:s1+$0xEF20] =	vst v3;
	v3 =	vand.u32 $0xFFFF0000, v15;
	v2 =	vmul.f32 v2, v6  }
0x85: {  	v0 =	vmul.f32 v3, v0;
	v3 =	vand.u32 $0xFFFF0000, v5;
	[tilespmem:s1+$0xEF70] =	vst v4;
	v4 =	vpop (erf)  }
0x86: {  	v3 =	vmul.f32 v3, v4;
	_ =	sdelay $0x1  }
0x87: {  	[tilespmem:s1+$0xEF40] =	vst v2;
	v4 =	vshll.u32 v7, $0x10;
	v2 =	vpop (erf)  }
0x88: {  	[tilespmem:s1+$0xEF30] =	vst v0;
	v5 =	vand.u32 $0xFFFF0000, v1;
	v0 =	vmul.f32 v4, v2;
	v2 =	vpop (erf)  }
0x89: {  	v1 =	vshll.u32 v1, $0x10;
	[tilespmem:s1+$0xEF50] =	vst v3;
	v2 =	vmul.f32 v5, v2;
	v3 =	vpop (erf)  }
0x8a: {  	s0 =	sadd.s32 s5, s30;
	[tilespmem:s1+$0xEF60] =	vst v0;
	v1 =	vmul.f32 v1, v3  }
0x8b: {  	s0 =	sshll.u32 s0, $0x4;
	[tilespmem:s1+$0xEF10] =	vst v2  }
0x8c: {  	s0 =	sadd.s32 s3, s0;
	[tilespmem:s1+$0xEF00] =	vst v1  }
0x8d: {  	[hbm4b:s0+s4] =	stream.linear.scatter [tilespmem:s20], [sflag:$0x5], $0x2800, $0x38;
	[tilespmem:$0x13F00] =	vst v63  }
0x8e: {  	_ =	swait.ge [sflag:s21], $0x2800  }
0x8f: {  	[sflag:s21] =	ssyncset.done $0x0  }
0x90: {  	[sflag:s21] =	ssyncadd.s32 $0xFFFFD800  }
0x91: {  	_ =	swait.ge [sflag:s22], $0x2800  }
0x92: {  	[sflag:s22] =	ssyncset.done $0x0  }
0x93: {  	s12 =	sadd.s32 $0xA0, s30;
	[sflag:s22] =	ssyncadd.s32 $0xFFFFD800  }
0x94: {  	[tilespmem:s14], [sflag:$0x1] =	stream.indirect.gather [hbm4b:s6+s13], $0x80, s12, s13, $0xb8;
	[tilespmem:$0x13F00] =	vst v63  }
0x95: {  	s31 =	sadd.s32 $0x2820, s30;
	s0 =	simm.s32 @!p0 $0x6  }
0x96: {  	[tilespmem:s15], [sflag:$0x3] =	stream.indirect.gather [hbm4b:s2+s13], $0x80, s31, s13, $0xb8;
	[tilespmem:$0x13F00] =	vst v63  }
0x97: {  	_ =	swait.ge @!p0 [sflag:s0], $0x2800  }
0x98: {  	[sflag:s0] =	ssyncset.done @!p0 $0x0  }
0x99: {  	s30 =	simm.s32 $0x0;
	[sflag:s0] =	ssyncadd.s32 @!p0 $0xFFFFD800  }
0x9a: {  	v0 =	vld [tilespmem:s30+$0x7750]  }
0x9b: {  	v1 =	vld [tilespmem:s30+$0xC720];
	_ =	sdelay $0x1  }
0x9c: {  	v2 =	vld [tilespmem:s30+$0xC730]  }
0x9d: {  	v3 =	vld [tilespmem:s30+$0x7770]  }
0x9e: {  	v5 =	vld [tilespmem:s30+$0x7760];
	v4 =	vshll.u32 v0, $0x10  }
0x9f: {  	v6 =	vld [tilespmem:s30+$0xC750];
	v1 =	vadd.f32 v4, v1  }
0xa0: {  	v7 =	vld [tilespmem:s30+$0xC770]  }
0xa1: {  	v9 =	vld [tilespmem:s30+$0xC740];
	v1 =	vsub.f32 $0.0e+00, v1  }
0xa2: {  	v4 =	vld [tilespmem:s30+$0x7740]  }
0xa3: {  	v8 =	vld [tilespmem:s30+$0xC700];
	v0 =	vand.u32 $0xFFFF0000, v0;
	v10 =	vand.u32 $0xFFFF0000, v5;
	v1 =	vmul.f32 $1.442695020e+00, v1  }
0xa4: {  	v0 =	vadd.f32 v0, v2;
	v2 =	vadd.f32 v10, v6  }
0xa5: {  	(erf) = vpow2.f32 v1;
	v1 =	vshll.u32 v3, $0x10;
	v3 =	vand.u32 $0xFFFF0000, v3  }
0xa6: {  	v5 =	vshll.u32 v5, $0x10;
	v0 =	vsub.f32 $0.0e+00, v0;
	v3 =	vadd.f32 v3, v7  }
0xa7: {  	v6 =	vld [tilespmem:s30+$0xC760];
	v5 =	vadd.f32 v5, v9;
	v2 =	vsub.f32 $0.0e+00, v2;
	v10 =	vshll.u32 v4, $0x10  }
0xa8: {  	v9 =	vmul.f32 $1.442695020e+00, v0;
	v8 =	vadd.f32 v10, v8;
	v7 =	vld [tilespmem:s30+$0xC710];
	v3 =	vsub.f32 $0.0e+00, v3  }
0xa9: {  	v2 =	vmul.f32 $1.442695020e+00, v2  }
0xaa: {  	(erf) = vpow2.f32 v9;
	v8 =	vsub.f32 $0.0e+00, v8;
	v3 =	vmul.f32 $1.442695020e+00, v3  }
0xab: {  	v5 =	vsub.f32 $0.0e+00, v5;
	v4 =	vand.u32 $0xFFFF0000, v4  }
0xac: {  	s1 =	simm.s32 $0x80;
	v0 =	vld [tilespmem:s30+$0x7710];
	v1 =	vadd.f32 v1, v6;
	(erf) = vpow2.f32 v2;
	v6 =	vmul.f32 $1.442695020e+00, v8  }
0xad: {  	v5 =	vmul.f32 $1.442695020e+00, v5;
	v8 =	vld [tilespmem:s1+$0xC730];
	v2 =	vadd.f32 v4, v7;
	(erf) = vpow2.f32 v3  }
0xae: {  	v1 =	vsub.f32 $0.0e+00, v1;
	v7 =	vld [tilespmem:s1+$0x7770];
	(erf) = vpow2.f32 v6;
	v3 =	vpop (erf)  }
0xaf: {  	v2 =	vsub.f32 $0.0e+00, v2;
	v6 =	vld [tilespmem:s1+$0x7750];
	(erf) = vpow2.f32 v5;
	v3 =	vadd.f32 $1.000000000e+00, v3  }
0xb0: {  	v1 =	vmul.f32 $1.442695020e+00, v1;
	v4 =	vld [tilespmem:s1+$0xC720]  }
0xb1: {  	v5 =	vld [tilespmem:s1+$0x7760];
	v2 =	vmul.f32 $1.442695020e+00, v2;
	(erf) = vrcp.f32 v3  }
0xb2: {  	(erf) = vpow2.f32 v1  }
0xb3: {  	v12 =	vpop (erf);
	v10 =	vshll.u32 v7, $0x10;
	(erf) = vpow2.f32 v2;
	v2 =	vld [tilespmem:s1+$0xC750]  }
0xb4: {  	v12 =	vadd.f32 $1.000000000e+00, v12;
	v3 =	vld [tilespmem:s1+$0x7740];
	v11 =	vshll.u32 v6, $0x10;
	v6 =	vand.u32 $0xFFFF0000, v6  }
0xb5: {  	v13 =	vld [tilespmem:s1+$0xC700];
	v14 =	vpop (erf);
	v7 =	vand.u32 $0xFFFF0000, v7;
	v4 =	vadd.f32 v11, v4;
	v6 =	vadd.f32 v6, v8  }
0xb6: {  	v9 =	vld [tilespmem:s1+$0xC740];
	v14 =	vadd.f32 $1.000000000e+00, v14;
	v1 =	vshll.u32 v0, $0x10;
	v11 =	vand.u32 $0xFFFF0000, v5;
	v8 =	vpop (erf)  }
0xb7: {  	v60 =	vld [tilespmem:s1+$0xC710];
	v5 =	vshll.u32 v5, $0x10;
	v4 =	vsub.f32 $0.0e+00, v4;
	v6 =	vsub.f32 $0.0e+00, v6;
	v61 =	vpop (erf)  }
0xb8: {  	v8 =	vadd.f32 $1.000000000e+00, v8;
	(erf) = vrcp.f32 v12;
	v12 =	vpop (erf);
	v2 =	vadd.f32 v11, v2;
	v11 =	vld [tilespmem:s1+$0xC770]  }
0xb9: {  	v15 =	vshll.u32 v3, $0x10;
	v3 =	vand.u32 $0xFFFF0000, v3;
	v12 =	vadd.f32 $1.000000000e+00, v12  }
0xba: {  	v4 =	vmul.f32 $1.442695020e+00, v4;
	v13 =	vadd.f32 v15, v13;
	(erf) = vrcp.f32 v8  }
0xbb: {  	v62 =	vld [tilespmem:s1+$0xC760];
	v15 =	vadd.f32 v5, v9;
	v5 =	vpop (erf);
	v2 =	vsub.f32 $0.0e+00, v2;
	(erf) = vrcp.f32 v12  }
0xbc: {  	v3 =	vadd.f32 v3, v60;
	v8 =	vmul.f32 $1.442695020e+00, v6;
	v6 =	vpop (erf);
	(erf) = vpow2.f32 v4  }
0xbd: {  	v9 =	vmul.f32 $1.442695020e+00, v2;
	v6 =	vadd.f32 $1.000000000e+00, v6;
	v2 =	vld [tilespmem:s30+$0x7700];
	v7 =	vadd.f32 v7, v11  }
0xbe: {  	v13 =	vsub.f32 $0.0e+00, v13;
	v4 =	vpop (erf);
	(erf) = vrcp.f32 v14;
	v11 =	vsub.f32 $0.0e+00, v3;
	v3 =	vld [tilespmem:s30+$0x7730]  }
0xbf: {  	v14 =	vadd.f32 $1.000000000e+00, v61;
	v63 =	vadd.f32 $1.000000000e+00, v4;
	v4 =	vld [tilespmem:s30+$0x7720];
	(erf) = vrcp.f32 v6  }
0xc0: {  	v12 =	vsub.f32 $0.0e+00, v7;
	v6 =	vmul.f32 $1.442695020e+00, v11;
	v11 =	vadd.f32 v10, v62  }
0xc1: {  	s0 =	simm.s32 $0x400;
	v10 =	vmul.f32 $1.442695020e+00, v13;
	v13 =	vsub.f32 $0.0e+00, v15;
	(erf) = vrcp.f32 v63;
	v7 =	vpop (erf)  }
.LBB2_5:
0xc2: {  	s12 =	sshra.s32 s0, $0x2;
	p0 =	sne.s32 s0, $0x9E00;
	s0 =	sadd.s32 $0x200, s0;
	v15 =	vld [tilespmem:s1+$0x7710];
	v16 =	vshll.u32 v2, $0x10;
	v1 =	vmul.f32 v1, v5;
	(erf) = vrcp.f32 v14  }
0xc3: {  	v12 =	vmul.f32 $1.442695020e+00, v12;
	v5 =	vld [tilespmem:s12+$0xC730];
	(erf) = vpow2.f32 v8;
	v8 =	vand.u32 $0xFFFF0000, v3;
	v14 =	vpop (erf)  }
0xc4: {  	v17 =	vld [tilespmem:s12+$0xC760];
	(erf) = vpow2.f32 v9;
	[tilespmem:s30+$0x11720] =	vst v1;
	v1 =	vshll.u32 v4, $0x10;
	v8 =	vmul.f32 v8, v14;
	v9 =	vpop (erf)  }
0xc5: {  	v11 =	vsub.f32 $0.0e+00, v11;
	v13 =	vmul.f32 $1.442695020e+00, v13;
	v14 =	vld [tilespmem:s12+$0xC720];
	v18 =	vpop (erf);
	(erf) = vpow2.f32 v12  }
0xc6: {  	v19 =	vmul.f32 v1, v9;
	v12 =	vld [tilespmem:s12+$0x7770];
	v18 =	vadd.f32 $1.000000000e+00, v18;
	(erf) = vpow2.f32 v10;
	[tilespmem:s30+$0x11770] =	vst v8  }
0xc7: {  	v20 =	vand.u32 $0xFFFF0000, v0;
	v9 =	vmul.f32 $1.442695020e+00, v11;
	v8 =	vld [tilespmem:s12+$0x7750];
	(erf) = vpow2.f32 v13;
	v10 =	vpop (erf)  }
0xc8: {  	v7 =	vmul.f32 v20, v7;
	v13 =	vand.u32 $0xFFFF0000, v4;
	v11 =	vld [tilespmem:s12+$0x7760];
	(erf) = vrcp.f32 v18;
	[tilespmem:s30+$0x11740] =	vst v19;
	v1 =	vpop (erf)  }
0xc9: {  	v3 =	vshll.u32 v3, $0x10;
	v0 =	vmovc v15;
	v4 =	vld [tilespmem:s12+$0x7740];
	(erf) = vpow2.f32 v9;
	v9 =	vmul.f32 v13, v10  }
0xca: {  	v2 =	vand.u32 $0xFFFF0000, v2;
	v3 =	vmul.f32 v3, v1;
	v10 =	vld [tilespmem:s12+$0xC740];
	(erf) = vpow2.f32 v6;
	[tilespmem:s30+$0x11730] =	vst v7;
	v6 =	vpop (erf)  }
0xcb: {  	v1 =	vshll.u32 v0, $0x10;
	v7 =	vld [tilespmem:s12+$0xC750];
	v13 =	vshll.u32 v12, $0x10;
	v2 =	vmul.f32 v2, v6;
	[tilespmem:s30+$0x11750] =	vst v9;
	v6 =	vpop (erf)  }
0xcc: {  	v9 =	vshll.u32 v8, $0x10;
	v8 =	vand.u32 $0xFFFF0000, v8;
	v15 =	vpop (erf);
	v6 =	vmul.f32 v16, v6;
	[tilespmem:s30+$0x11760] =	vst v3  }
0xcd: {  	v3 =	vld [tilespmem:s12+$0xC700];
	v9 =	vadd.f32 v9, v14;
	v14 =	vand.u32 $0xFFFF0000, v11;
	v15 =	vadd.f32 $1.000000000e+00, v15;
	v16 =	vpop (erf)  }
0xce: {  	v20 =	vadd.f32 v8, v5;
	v8 =	vshll.u32 v11, $0x10;
	v18 =	vshll.u32 v4, $0x10;
	v11 =	vpop (erf);
	[tilespmem:s30+$0x11710] =	vst v2  }
0xcf: {  	v2 =	vand.u32 $0xFFFF0000, v4;
	v16 =	vadd.f32 $1.000000000e+00, v16;
	v4 =	vld [tilespmem:s12+$0xC710];
	v9 =	vsub.f32 $0.0e+00, v9;
	v19 =	vpop (erf);
	[tilespmem:s30+$0x11700] =	vst v6;
	s30 =	smov.u32 s1;
	s1 =	smov.u32 s12  }
0xd0: {  	v11 =	vadd.f32 $1.000000000e+00, v11;
	v6 =	vadd.f32 v14, v7;
	v7 =	vld [tilespmem:s1+$0xC770];
	(erf) = vrcp.f32 v15;
	v14 =	vpop (erf)  }
0xd1: {  	v15 =	vsub.f32 $0.0e+00, v20;
	v9 =	vmul.f32 $1.442695020e+00, v9;
	v14 =	vadd.f32 $1.000000000e+00, v14;
	v5 =	vpop (erf)  }
0xd2: {  	v20 =	vadd.f32 v8, v10;
	v18 =	vadd.f32 v18, v3;
	v3 =	vpop (erf);
	(erf) = vrcp.f32 v11  }
0xd3: {  	v8 =	vmul.f32 $1.442695020e+00, v15;
	v6 =	vsub.f32 $0.0e+00, v6;
	v10 =	vpop (erf);
	(erf) = vrcp.f32 v14  }
0xd4: {  	v4 =	vadd.f32 v2, v4;
	v2 =	vand.u32 $0xFFFF0000, v12;
	(erf) = vpow2.f32 v9  }
.Ltmp1:
0xd5: {  	v9 =	vmul.f32 $1.442695020e+00, v6;
	v6 =	vadd.f32 v2, v7;
	v2 =	vld [tilespmem:s30+$0x7700];
	v7 =	vadd.f32 $1.000000000e+00, v3;
	(pc) =	sbr.rel @p0 .LBB2_5-.Ltmp1, $4  }
0xd6: {  	v15 =	vadd.f32 $1.000000000e+00, v10;
	v11 =	vsub.f32 $0.0e+00, v4;
	v3 =	vld [tilespmem:s30+$0x7730];
	(erf) = vrcp.f32 v16  }
0xd7: {  	v10 =	vsub.f32 $0.0e+00, v18;
	v12 =	vsub.f32 $0.0e+00, v6;
	v4 =	vld [tilespmem:s30+$0x7720];
	(erf) = vrcp.f32 v7  }
0xd8: {  	v14 =	vadd.f32 $1.000000000e+00, v19;
	v6 =	vmul.f32 $1.442695020e+00, v11;
	v11 =	vadd.f32 v13, v17  }
0xd9: {  	v10 =	vmul.f32 $1.442695020e+00, v10;
	v13 =	vsub.f32 $0.0e+00, v20;
	(erf) = vrcp.f32 v15;
	v7 =	vpop (erf)  }
0xda: {  	(erf) = vrcp.f32 v14  }
0xdb: {  	v12 =	vmul.f32 $1.442695020e+00, v12;
	(erf) = vpow2.f32 v8;
	v21 =	vpop (erf)  }
0xdc: {  	(erf) = vpow2.f32 v9;
	v22 =	vpop (erf)  }
0xdd: {  	v11 =	vsub.f32 $0.0e+00, v11;
	v13 =	vmul.f32 $1.442695020e+00, v13;
	(erf) = vpow2.f32 v12;
	v23 =	vpop (erf)  }
0xde: {  	(erf) = vpow2.f32 v10;
	v24 =	vadd.f32 $1.000000000e+00, v23  }
0xdf: {  	v11 =	vmul.f32 $1.442695020e+00, v11;
	(erf) = vpow2.f32 v13  }
0xe0: {  	v25 =	vpop (erf);
	(erf) = vrcp.f32 v24  }
0xe1: {  	v26 =	vpop (erf);
	(erf) = vpow2.f32 v11  }
0xe2: {  	v27 =	vpop (erf);
	(erf) = vpow2.f32 v6  }
0xe3: {  	v28 =	vpop (erf)  }
0xe4: {  	v29 =	vpop (erf)  }
0xe5: {  	v30 =	vpop (erf)  }
0xe6: {  	v15 =	vpop (erf)  }
0xe7: {  	v1 =	vmul.f32 v1, v5;
	v13 =	vadd.f32 $1.000000000e+00, v29;
	v16 =	vpop (erf)  }
0xe8: {  	v0 =	vand.u32 $0xFFFF0000, v0;
	v33 =	vand.u32 $0xFFFF0000, v3;
	v31 =	vadd.f32 $1.000000000e+00, v15;
	v32 =	vpop (erf)  }
0xe9: {  	v0 =	vmul.f32 v0, v7;
	(erf) = vrcp.f32 v13;
	v15 =	vadd.f32 $1.000000000e+00, v32;
	v34 =	vpop (erf)  }
0xea: {  	v8 =	vmul.f32 v33, v21;
	v14 =	vadd.f32 $1.000000000e+00, v30;
	(erf) = vrcp.f32 v31;
	v36 =	vpop (erf)  }
0xeb: {  	v35 =	vshll.u32 v4, $0x10;
	(erf) = vrcp.f32 v15;
	v37 =	vpop (erf);
	v15 =	vadd.f32 $1.000000000e+00, v36  }
0xec: {  	v38 =	vld [tilespmem:s1+$0x7710];
	[tilespmem:s30+$0x11720] =	vst v1;
	v40 =	vand.u32 $0xFFFF0000, v4;
	v39 =	vadd.f32 $1.000000000e+00, v37;
	(erf) = vrcp.f32 v14  }
0xed: {  	v5 =	vmul.f32 v35, v22;
	[tilespmem:s30+$0x11730] =	vst v0;
	v42 =	vadd.f32 $1.000000000e+00, v16;
	(erf) = vrcp.f32 v15  }
0xee: {  	v41 =	vld [tilespmem:s1+$0x7730];
	v43 =	vshll.u32 v3, $0x10;
	[tilespmem:s30+$0x11770] =	vst v8;
	v4 =	vmul.f32 v40, v25;
	(erf) = vrcp.f32 v39  }
0xef: {  	v44 =	vld [tilespmem:s1+$0x7720];
	v45 =	vand.u32 $0xFFFF0000, v2;
	[tilespmem:s30+$0x11740] =	vst v5;
	v46 =	vmul.f32 v43, v26;
	(erf) = vrcp.f32 v42  }
0xf0: {  	v47 =	vshll.u32 v2, $0x10;
	[tilespmem:s30+$0x11750] =	vst v4;
	v48 =	vmul.f32 v45, v27  }
0xf1: {  	v49 =	vshll.u32 v38, $0x10;
	[tilespmem:s30+$0x11760] =	vst v46;
	v2 =	vmul.f32 v47, v28  }
0xf2: {  	v51 =	vld [tilespmem:s1+$0x7700];
	v1 =	vand.u32 $0xFFFF0000, v38;
	[tilespmem:s30+$0x11710] =	vst v48;
	v4 =	vmul.f32 v49, v34;
	v50 =	vpop (erf)  }
0xf3: {  	v52 =	vand.u32 $0xFFFF0000, v41;
	[tilespmem:s30+$0x11700] =	vst v2;
	v0 =	vmul.f32 v1, v50;
	v53 =	vpop (erf)  }
0xf4: {  	v54 =	vshll.u32 v44, $0x10;
	[tilespmem:s1+$0x11720] =	vst v4;
	v6 =	vmul.f32 v52, v53;
	v55 =	vpop (erf)  }
0xf5: {  	v57 =	vand.u32 $0xFFFF0000, v44;
	[tilespmem:s1+$0x11730] =	vst v0;
	v2 =	vmul.f32 v54, v55;
	v56 =	vpop (erf)  }
0xf6: {  	s28 =	sadd.s32 $0x1, s28;
	v59 =	vshll.u32 v41, $0x10;
	[tilespmem:s1+$0x11770] =	vst v6;
	v58 =	vpop (erf);
	v1 =	vmul.f32 v57, v56  }
0xf7: {  	p0 =	sne.s32 s28, $0x3E;
	v60 =	vand.u32 $0xFFFF0000, v51;
	[tilespmem:s1+$0x11740] =	vst v2;
	v61 =	vmul.f32 v59, v58;
	v62 =	vpop (erf)  }
.Ltmp2:
0xf8: {  	v3 =	vshll.u32 v51, $0x10;
	v2 =	vmul.f32 v60, v62;
	[tilespmem:s1+$0x11750] =	vst v1;
	v63 =	vpop (erf);
	(pc) =	sbr.rel @p0 .LBB2_2-.Ltmp2, $4  }
0xf9: {  	s0 =	sadd.s32 s5, s29;
	v1 =	vmul.f32 v3, v63;
	[tilespmem:s1+$0x11760] =	vst v61  }
0xfa: {  	s0 =	sshll.u32 s0, $0x4;
	[tilespmem:s1+$0x11710] =	vst v2  }
0xfb: {  	s0 =	sadd.s32 s3, s0;
	[tilespmem:s1+$0x11700] =	vst v1  }
0xfc: {  	[hbm4b:s0+s4] =	stream.linear.scatter [tilespmem:s23], [sflag:$0x6], $0x2800, $0x38;
	[tilespmem:$0x13F00] =	vst v63  }
0xfd: {  	_ =	swait.ge [sflag:s16], $0x2800  }
0xfe: {  	[sflag:s16] =	ssyncset.done $0x0  }
0xff: {  	[sflag:s16] =	ssyncadd.s32 $0xFFFFD800  }
0x100: {  	_ =	swait.ge [sflag:s17], $0x2800  }
0x101: {  	[sflag:s17] =	ssyncset.done $0x0  }
0x102: {  	[sflag:s17] =	ssyncadd.s32 $0xFFFFD800  }
0x103: {  	_ =	swait.ge [sflag:s24], $0x2800  }
0x104: {  	[sflag:s24] =	ssyncset.done $0x0  }
0x105: {  	s28 =	simm.s32 $0x0;
	[sflag:s24] =	ssyncadd.s32 $0xFFFFD800  }
0x106: {  	v0 =	vld [tilespmem:s28+$0x4F50]  }
0x107: {  	v1 =	vld [tilespmem:s28+$0x9F20];
	_ =	sdelay $0x1  }
0x108: {  	v2 =	vld [tilespmem:s28+$0x9F30]  }
0x109: {  	v3 =	vld [tilespmem:s28+$0x4F70]  }
0x10a: {  	v5 =	vld [tilespmem:s28+$0x4F60];
	v4 =	vshll.u32 v0, $0x10  }
0x10b: {  	v6 =	vld [tilespmem:s28+$0x9F50];
	v1 =	vadd.f32 v4, v1  }
0x10c: {  	v7 =	vld [tilespmem:s28+$0x9F70]  }
0x10d: {  	v9 =	vld [tilespmem:s28+$0x9F40];
	v1 =	vsub.f32 $0.0e+00, v1  }
0x10e: {  	v4 =	vld [tilespmem:s28+$0x4F40]  }
0x10f: {  	v8 =	vld [tilespmem:s28+$0x9F00];
	v0 =	vand.u32 $0xFFFF0000, v0;
	v10 =	vand.u32 $0xFFFF0000, v5;
	v1 =	vmul.f32 $1.442695020e+00, v1  }
0x110: {  	v0 =	vadd.f32 v0, v2;
	v2 =	vadd.f32 v10, v6  }
0x111: {  	(erf) = vpow2.f32 v1;
	v1 =	vshll.u32 v3, $0x10;
	v3 =	vand.u32 $0xFFFF0000, v3  }
0x112: {  	v5 =	vshll.u32 v5, $0x10;
	v0 =	vsub.f32 $0.0e+00, v0;
	v3 =	vadd.f32 v3, v7  }
0x113: {  	v6 =	vld [tilespmem:s28+$0x9F60];
	v5 =	vadd.f32 v5, v9;
	v2 =	vsub.f32 $0.0e+00, v2;
	v10 =	vshll.u32 v4, $0x10  }
0x114: {  	v9 =	vmul.f32 $1.442695020e+00, v0;
	v8 =	vadd.f32 v10, v8;
	v7 =	vld [tilespmem:s28+$0x9F10];
	v3 =	vsub.f32 $0.0e+00, v3  }
0x115: {  	v2 =	vmul.f32 $1.442695020e+00, v2  }
0x116: {  	(erf) = vpow2.f32 v9;
	v8 =	vsub.f32 $0.0e+00, v8;
	v3 =	vmul.f32 $1.442695020e+00, v3  }
0x117: {  	v5 =	vsub.f32 $0.0e+00, v5;
	v4 =	vand.u32 $0xFFFF0000, v4  }
0x118: {  	s1 =	simm.s32 $0x80;
	v0 =	vld [tilespmem:s28+$0x4F10];
	v1 =	vadd.f32 v1, v6;
	(erf) = vpow2.f32 v2;
	v6 =	vmul.f32 $1.442695020e+00, v8  }
0x119: {  	v5 =	vmul.f32 $1.442695020e+00, v5;
	v8 =	vld [tilespmem:s1+$0x9F30];
	v2 =	vadd.f32 v4, v7;
	(erf) = vpow2.f32 v3  }
0x11a: {  	v1 =	vsub.f32 $0.0e+00, v1;
	v7 =	vld [tilespmem:s1+$0x4F70];
	(erf) = vpow2.f32 v6;
	v3 =	vpop (erf)  }
0x11b: {  	v2 =	vsub.f32 $0.0e+00, v2;
	v6 =	vld [tilespmem:s1+$0x4F50];
	(erf) = vpow2.f32 v5;
	v3 =	vadd.f32 $1.000000000e+00, v3  }
0x11c: {  	v1 =	vmul.f32 $1.442695020e+00, v1;
	v4 =	vld [tilespmem:s1+$0x9F20]  }
0x11d: {  	v5 =	vld [tilespmem:s1+$0x4F60];
	v2 =	vmul.f32 $1.442695020e+00, v2;
	(erf) = vrcp.f32 v3  }
0x11e: {  	(erf) = vpow2.f32 v1  }
0x11f: {  	v12 =	vpop (erf);
	v10 =	vshll.u32 v7, $0x10;
	(erf) = vpow2.f32 v2;
	v2 =	vld [tilespmem:s1+$0x9F50]  }
0x120: {  	v12 =	vadd.f32 $1.000000000e+00, v12;
	v3 =	vld [tilespmem:s1+$0x4F40];
	v11 =	vshll.u32 v6, $0x10;
	v6 =	vand.u32 $0xFFFF0000, v6  }
0x121: {  	v13 =	vld [tilespmem:s1+$0x9F00];
	v14 =	vpop (erf);
	v7 =	vand.u32 $0xFFFF0000, v7;
	v4 =	vadd.f32 v11, v4;
	v6 =	vadd.f32 v6, v8  }
0x122: {  	v9 =	vld [tilespmem:s1+$0x9F40];
	v14 =	vadd.f32 $1.000000000e+00, v14;
	v1 =	vshll.u32 v0, $0x10;
	v11 =	vand.u32 $0xFFFF0000, v5;
	v8 =	vpop (erf)  }
0x123: {  	v16 =	vld [tilespmem:s1+$0x9F10];
	v5 =	vshll.u32 v5, $0x10;
	v4 =	vsub.f32 $0.0e+00, v4;
	v6 =	vsub.f32 $0.0e+00, v6;
	v17 =	vpop (erf)  }
0x124: {  	v8 =	vadd.f32 $1.000000000e+00, v8;
	(erf) = vrcp.f32 v12;
	v12 =	vpop (erf);
	v2 =	vadd.f32 v11, v2;
	v11 =	vld [tilespmem:s1+$0x9F70]  }
0x125: {  	v15 =	vshll.u32 v3, $0x10;
	v3 =	vand.u32 $0xFFFF0000, v3;
	v12 =	vadd.f32 $1.000000000e+00, v12  }
0x126: {  	v4 =	vmul.f32 $1.442695020e+00, v4;
	v13 =	vadd.f32 v15, v13;
	(erf) = vrcp.f32 v8  }
0x127: {  	v18 =	vld [tilespmem:s1+$0x9F60];
	v15 =	vadd.f32 v5, v9;
	v5 =	vpop (erf);
	v2 =	vsub.f32 $0.0e+00, v2;
	(erf) = vrcp.f32 v12  }
0x128: {  	v3 =	vadd.f32 v3, v16;
	v8 =	vmul.f32 $1.442695020e+00, v6;
	v6 =	vpop (erf);
	(erf) = vpow2.f32 v4  }
0x129: {  	v9 =	vmul.f32 $1.442695020e+00, v2;
	v6 =	vadd.f32 $1.000000000e+00, v6;
	v2 =	vld [tilespmem:s28+$0x4F00];
	v7 =	vadd.f32 v7, v11  }
0x12a: {  	v13 =	vsub.f32 $0.0e+00, v13;
	v4 =	vpop (erf);
	(erf) = vrcp.f32 v14;
	v11 =	vsub.f32 $0.0e+00, v3;
	v3 =	vld [tilespmem:s28+$0x4F30]  }
0x12b: {  	v14 =	vadd.f32 $1.000000000e+00, v17;
	v63 =	vadd.f32 $1.000000000e+00, v4;
	v4 =	vld [tilespmem:s28+$0x4F20];
	(erf) = vrcp.f32 v6  }
0x12c: {  	v12 =	vsub.f32 $0.0e+00, v7;
	v6 =	vmul.f32 $1.442695020e+00, v11;
	v11 =	vadd.f32 v10, v18  }
0x12d: {  	s0 =	simm.s32 $0x400;
	v10 =	vmul.f32 $1.442695020e+00, v13;
	v13 =	vsub.f32 $0.0e+00, v15;
	(erf) = vrcp.f32 v63;
	v7 =	vpop (erf)  }
.LBB2_8:
0x12e: {  	s12 =	sshra.s32 s0, $0x2;
	p0 =	sne.s32 s0, $0x9E00;
	s0 =	sadd.s32 $0x200, s0;
	v15 =	vld [tilespmem:s1+$0x4F10];
	v16 =	vshll.u32 v2, $0x10;
	v1 =	vmul.f32 v1, v5;
	(erf) = vrcp.f32 v14  }
0x12f: {  	v12 =	vmul.f32 $1.442695020e+00, v12;
	v5 =	vld [tilespmem:s12+$0x9F30];
	(erf) = vpow2.f32 v8;
	v8 =	vand.u32 $0xFFFF0000, v3;
	v14 =	vpop (erf)  }
0x130: {  	v17 =	vld [tilespmem:s12+$0x9F60];
	(erf) = vpow2.f32 v9;
	[tilespmem:s28+$0xEF20] =	vst v1;
	v1 =	vshll.u32 v4, $0x10;
	v8 =	vmul.f32 v8, v14;
	v9 =	vpop (erf)  }
0x131: {  	v11 =	vsub.f32 $0.0e+00, v11;
	v13 =	vmul.f32 $1.442695020e+00, v13;
	v14 =	vld [tilespmem:s12+$0x9F20];
	v18 =	vpop (erf);
	(erf) = vpow2.f32 v12  }
0x132: {  	v19 =	vmul.f32 v1, v9;
	v12 =	vld [tilespmem:s12+$0x4F70];
	v18 =	vadd.f32 $1.000000000e+00, v18;
	(erf) = vpow2.f32 v10;
	[tilespmem:s28+$0xEF70] =	vst v8  }
0x133: {  	v20 =	vand.u32 $0xFFFF0000, v0;
	v9 =	vmul.f32 $1.442695020e+00, v11;
	v8 =	vld [tilespmem:s12+$0x4F50];
	(erf) = vpow2.f32 v13;
	v10 =	vpop (erf)  }
0x134: {  	v7 =	vmul.f32 v20, v7;
	v13 =	vand.u32 $0xFFFF0000, v4;
	v11 =	vld [tilespmem:s12+$0x4F60];
	(erf) = vrcp.f32 v18;
	[tilespmem:s28+$0xEF40] =	vst v19;
	v1 =	vpop (erf)  }
0x135: {  	v3 =	vshll.u32 v3, $0x10;
	v0 =	vmovc v15;
	v4 =	vld [tilespmem:s12+$0x4F40];
	(erf) = vpow2.f32 v9;
	v9 =	vmul.f32 v13, v10  }
0x136: {  	v2 =	vand.u32 $0xFFFF0000, v2;
	v3 =	vmul.f32 v3, v1;
	v10 =	vld [tilespmem:s12+$0x9F40];
	(erf) = vpow2.f32 v6;
	[tilespmem:s28+$0xEF30] =	vst v7;
	v6 =	vpop (erf)  }
0x137: {  	v1 =	vshll.u32 v0, $0x10;
	v7 =	vld [tilespmem:s12+$0x9F50];
	v13 =	vshll.u32 v12, $0x10;
	v2 =	vmul.f32 v2, v6;
	[tilespmem:s28+$0xEF50] =	vst v9;
	v6 =	vpop (erf)  }
0x138: {  	v9 =	vshll.u32 v8, $0x10;
	v8 =	vand.u32 $0xFFFF0000, v8;
	v15 =	vpop (erf);
	v6 =	vmul.f32 v16, v6;
	[tilespmem:s28+$0xEF60] =	vst v3  }
0x139: {  	v3 =	vld [tilespmem:s12+$0x9F00];
	v9 =	vadd.f32 v9, v14;
	v14 =	vand.u32 $0xFFFF0000, v11;
	v15 =	vadd.f32 $1.000000000e+00, v15;
	v16 =	vpop (erf)  }
0x13a: {  	v20 =	vadd.f32 v8, v5;
	v8 =	vshll.u32 v11, $0x10;
	v18 =	vshll.u32 v4, $0x10;
	v11 =	vpop (erf);
	[tilespmem:s28+$0xEF10] =	vst v2  }
0x13b: {  	v2 =	vand.u32 $0xFFFF0000, v4;
	v16 =	vadd.f32 $1.000000000e+00, v16;
	v4 =	vld [tilespmem:s12+$0x9F10];
	v9 =	vsub.f32 $0.0e+00, v9;
	v19 =	vpop (erf);
	[tilespmem:s28+$0xEF00] =	vst v6;
	s28 =	smov.u32 s1;
	s1 =	smov.u32 s12  }
0x13c: {  	v11 =	vadd.f32 $1.000000000e+00, v11;
	v6 =	vadd.f32 v14, v7;
	v7 =	vld [tilespmem:s1+$0x9F70];
	(erf) = vrcp.f32 v15;
	v14 =	vpop (erf)  }
0x13d: {  	v15 =	vsub.f32 $0.0e+00, v20;
	v9 =	vmul.f32 $1.442695020e+00, v9;
	v14 =	vadd.f32 $1.000000000e+00, v14;
	v5 =	vpop (erf)  }
0x13e: {  	v20 =	vadd.f32 v8, v10;
	v18 =	vadd.f32 v18, v3;
	v3 =	vpop (erf);
	(erf) = vrcp.f32 v11  }
0x13f: {  	v8 =	vmul.f32 $1.442695020e+00, v15;
	v6 =	vsub.f32 $0.0e+00, v6;
	v10 =	vpop (erf);
	(erf) = vrcp.f32 v14  }
0x140: {  	v4 =	vadd.f32 v2, v4;
	v2 =	vand.u32 $0xFFFF0000, v12;
	(erf) = vpow2.f32 v9  }
.Ltmp3:
0x141: {  	v9 =	vmul.f32 $1.442695020e+00, v6;
	v6 =	vadd.f32 v2, v7;
	v2 =	vld [tilespmem:s28+$0x4F00];
	v7 =	vadd.f32 $1.000000000e+00, v3;
	(pc) =	sbr.rel @p0 .LBB2_8-.Ltmp3, $4  }
0x142: {  	v15 =	vadd.f32 $1.000000000e+00, v10;
	v11 =	vsub.f32 $0.0e+00, v4;
	v3 =	vld [tilespmem:s28+$0x4F30];
	(erf) = vrcp.f32 v16  }
0x143: {  	v10 =	vsub.f32 $0.0e+00, v18;
	v12 =	vsub.f32 $0.0e+00, v6;
	v4 =	vld [tilespmem:s28+$0x4F20];
	(erf) = vrcp.f32 v7  }
0x144: {  	v14 =	vadd.f32 $1.000000000e+00, v19;
	v6 =	vmul.f32 $1.442695020e+00, v11;
	v11 =	vadd.f32 v13, v17  }
0x145: {  	v10 =	vmul.f32 $1.442695020e+00, v10;
	v13 =	vsub.f32 $0.0e+00, v20;
	(erf) = vrcp.f32 v15;
	v7 =	vpop (erf)  }
0x146: {  	(erf) = vrcp.f32 v14  }
0x147: {  	v12 =	vmul.f32 $1.442695020e+00, v12;
	(erf) = vpow2.f32 v8;
	v21 =	vpop (erf)  }
0x148: {  	(erf) = vpow2.f32 v9;
	v22 =	vpop (erf)  }
0x149: {  	v11 =	vsub.f32 $0.0e+00, v11;
	v13 =	vmul.f32 $1.442695020e+00, v13;
	(erf) = vpow2.f32 v12;
	v23 =	vpop (erf)  }
0x14a: {  	(erf) = vpow2.f32 v10;
	v24 =	vadd.f32 $1.000000000e+00, v23  }
0x14b: {  	v11 =	vmul.f32 $1.442695020e+00, v11;
	(erf) = vpow2.f32 v13  }
0x14c: {  	v25 =	vpop (erf);
	(erf) = vrcp.f32 v24  }
0x14d: {  	v26 =	vpop (erf);
	(erf) = vpow2.f32 v11  }
0x14e: {  	v27 =	vpop (erf);
	(erf) = vpow2.f32 v6  }
0x14f: {  	v28 =	vpop (erf)  }
0x150: {  	v29 =	vpop (erf)  }
0x151: {  	v30 =	vpop (erf)  }
0x152: {  	v15 =	vpop (erf)  }
0x153: {  	v1 =	vmul.f32 v1, v5;
	v13 =	vadd.f32 $1.000000000e+00, v29;
	v16 =	vpop (erf)  }
0x154: {  	v0 =	vand.u32 $0xFFFF0000, v0;
	v33 =	vand.u32 $0xFFFF0000, v3;
	v31 =	vadd.f32 $1.000000000e+00, v15;
	v32 =	vpop (erf)  }
0x155: {  	v0 =	vmul.f32 v0, v7;
	(erf) = vrcp.f32 v13;
	v15 =	vadd.f32 $1.000000000e+00, v32;
	v34 =	vpop (erf)  }
0x156: {  	v8 =	vmul.f32 v33, v21;
	v14 =	vadd.f32 $1.000000000e+00, v30;
	(erf) = vrcp.f32 v31;
	v36 =	vpop (erf)  }
0x157: {  	v35 =	vshll.u32 v4, $0x10;
	(erf) = vrcp.f32 v15;
	v37 =	vpop (erf);
	v15 =	vadd.f32 $1.000000000e+00, v36  }
0x158: {  	v38 =	vld [tilespmem:s1+$0x4F10];
	[tilespmem:s28+$0xEF20] =	vst v1;
	v40 =	vand.u32 $0xFFFF0000, v4;
	v39 =	vadd.f32 $1.000000000e+00, v37;
	(erf) = vrcp.f32 v14  }
0x159: {  	v5 =	vmul.f32 v35, v22;
	[tilespmem:s28+$0xEF30] =	vst v0;
	v42 =	vadd.f32 $1.000000000e+00, v16;
	(erf) = vrcp.f32 v15  }
0x15a: {  	v41 =	vld [tilespmem:s1+$0x4F30];
	v43 =	vshll.u32 v3, $0x10;
	[tilespmem:s28+$0xEF70] =	vst v8;
	v4 =	vmul.f32 v40, v25;
	(erf) = vrcp.f32 v39  }
0x15b: {  	v44 =	vld [tilespmem:s1+$0x4F20];
	v45 =	vand.u32 $0xFFFF0000, v2;
	[tilespmem:s28+$0xEF40] =	vst v5;
	v46 =	vmul.f32 v43, v26;
	(erf) = vrcp.f32 v42  }
0x15c: {  	v47 =	vshll.u32 v2, $0x10;
	[tilespmem:s28+$0xEF50] =	vst v4;
	v48 =	vmul.f32 v45, v27  }
0x15d: {  	v49 =	vshll.u32 v38, $0x10;
	[tilespmem:s28+$0xEF60] =	vst v46;
	v2 =	vmul.f32 v47, v28  }
0x15e: {  	v51 =	vld [tilespmem:s1+$0x4F00];
	v1 =	vand.u32 $0xFFFF0000, v38;
	[tilespmem:s28+$0xEF10] =	vst v48;
	v4 =	vmul.f32 v49, v34;
	v50 =	vpop (erf)  }
0x15f: {  	v52 =	vand.u32 $0xFFFF0000, v41;
	[tilespmem:s28+$0xEF00] =	vst v2;
	v0 =	vmul.f32 v1, v50;
	v53 =	vpop (erf)  }
0x160: {  	v54 =	vshll.u32 v44, $0x10;
	[tilespmem:s1+$0xEF20] =	vst v4;
	v6 =	vmul.f32 v52, v53;
	v55 =	vpop (erf)  }
0x161: {  	v57 =	vand.u32 $0xFFFF0000, v44;
	[tilespmem:s1+$0xEF30] =	vst v0;
	v2 =	vmul.f32 v54, v55;
	v56 =	vpop (erf)  }
0x162: {  	v59 =	vshll.u32 v41, $0x10;
	[tilespmem:s1+$0xEF70] =	vst v6;
	v58 =	vpop (erf);
	v1 =	vmul.f32 v57, v56  }
0x163: {  	v60 =	vand.u32 $0xFFFF0000, v51;
	[tilespmem:s1+$0xEF40] =	vst v2;
	v61 =	vmul.f32 v59, v58;
	v62 =	vpop (erf)  }
0x164: {  	v3 =	vshll.u32 v51, $0x10;
	v2 =	vmul.f32 v60, v62;
	[tilespmem:s1+$0xEF50] =	vst v1;
	v63 =	vpop (erf)  }
0x165: {  	v1 =	vmul.f32 v3, v63;
	[tilespmem:s1+$0xEF60] =	vst v61  }
0x166: {  	[tilespmem:s1+$0xEF10] =	vst v2  }
0x167: {  	s26 =	sadd.s32 $0x1, s26;
	[tilespmem:s1+$0xEF00] =	vst v1  }
0x168: {  	[hbm4b:s9+s4] =	stream.linear.scatter [tilespmem:s20], [sflag:$0x5], $0x2800, $0x38;
	[tilespmem:$0x13F00] =	vst v63  }
0x169: {  	p0 =	sne.s32 s26, s10;
	_ =	swait.ge [sflag:s25], $0x2800  }
.Ltmp4:
0x16a: {  	[sflag:s25] =	ssyncset.done $0x0;
	(pc) =	sbr.rel @p0 .LBB2_1-.Ltmp4, $4  }
0x16b: {  	[sflag:s25] =	ssyncadd.s32 $0xFFFFD800  }
0x16c: {  	_ =	swait.ge [sflag:s24], $0x2800  }
0x16d: {  	[sflag:s24] =	ssyncset.done $0x0  }
0x16e: {  	[sflag:s24] =	ssyncadd.s32 $0xFFFFD800  }
0x16f: {  	_ =	sfence.sel $0x180000  }
0x170: {  	[bflag:$0x0] =	sbarrier.arrive $0xFFFF  }
0x171: {  	_ =	strace $0x90000047  }
0x172: {  	s0 =	stileid.u32;
	[bflag:$0x2] =	sbarrier.arrive $0xFFFF  }
0x173: {  	p0 =	sne.s32 s0, $0x0;
	s0 =	rddreg [dreg:$0x3]  }
0x174: {  	s0 =	sadd.s32 @!p0 $0x100000, s0  }
0x175: {  	[sflag:s0] =	ssyncadd.tile.s32 @!p0 $0x1;
	_ =	shalt  }
.Lfunc_end2:
_tile_overlayer_lowered:
.L_overlay_start_2:
0x176: {  	(tag) =	ssettag $0x2  }
0x177: {  	s0 =	rddreg [dreg:$0x0];
	s2 =	stileid.u32  }
0x178: {  	s1 =	rddreg [dreg:$0x1];
	p0 =	sne.s32 s2, $0x0  }
0x179: {  	s3 =	rddreg [dreg:$0x2];
	[bflag:$0x3] =	sbarrier.arrive $0xFFFF;
	s2 =	simm.s32 @!p0 $0x1C07  }
0x17a: {  	[timem:s3], [sflag:s2] =	dma.local @!p0 [hbm:s0], s1  }
0x17b: {  	s0 =	simm.s32 @!p0 $0x7  }
0x17c: {  	_ =	swait.ge @!p0 [sflag:s0], s1  }
0x17d: {  	s1 =	ssub.s32 @!p0 $0x0, s1;
	[sflag:s0] =	ssyncset.done @!p0 $0x0  }
0x17e: {  	[sflag:s0] =	ssyncadd.s32 @!p0 s1  }
0x17f: {  	[bflag:$0x3] =	sbarrier.arrive $0xFFFF  }
0x180: {  	_ =	shalt  }

</sc_bundles>
